<compile_context>
chip_gen: v7x
topology: tpu7x:2x2x1
jax: 0.10.2.dev20260603
libtpu: 0.0.44.dev20260713+nightly
codegen_flags: <defaults>
</compile_context>

<pallas_src>
import functools
import math

import jax
import jax.numpy as jnp
from jax import lax
from jax.experimental import pallas as pl
from jax.experimental.pallas import tpu as pltpu
from jax.experimental.pallas import tpu_sc as plsc

_C, _W, _H = 80, 128, 128
_N = 1000
_NPAD = 1024
_NTILES = 32
_R = 4
_MAXC = 3
_L = 16
_NBLK = _NPAD // _L

_GX = [math.exp(-float((r - _R) ** 2)) for r in range(2 * _R + 1)]


def _splat_kernel(
    heat_hbm, boxes_hbm, classes_hbm, out_hbm, buf, boxes_v, cls_v, wl_v,
    sem_slab, sem_slab2, sem_boxes, sem_wb,
):
    wid = lax.axis_index("s") * 2 + lax.axis_index("c")
    c0 = (wid * _C) // _NTILES
    c1 = ((wid + 1) * _C) // _NTILES
    owns3 = (c1 - c0) == 3

    slab_cp = pltpu.make_async_copy(
        heat_hbm.at[pl.ds(c0, 2)], buf.at[pl.ds(0, 2)], sem_slab
    )
    slab_cp.start()
    slab2_cp = pltpu.make_async_copy(heat_hbm.at[c0 + 2], buf.at[2], sem_slab2)

    @pl.when(owns3)
    def _():
        slab2_cp.start()

    boxes_cp = pltpu.make_async_copy(
        boxes_hbm, boxes_v.at[pl.ds(0, 4 * _N)], sem_boxes
    )
    boxes_cp.start()
    sent = jnp.full((_L,), _C + 1, jnp.int32)
    cls_v[pl.ds(_N - 8, _L)] = sent
    cls_v[pl.ds(_N + 8, _L)] = sent
    pltpu.sync_copy(classes_hbm, cls_v.at[pl.ds(0, _N)])

    lanes = lax.iota(jnp.int32, _L)
    zeros16 = jnp.zeros((_L,), jnp.int32)

    def treemax(m):
        for sh in (1, 2, 4, 8):
            m = jnp.maximum(m, m.at[lanes ^ sh].get(mode="promise_in_bounds"))
        return m[0]

    def blk_body(b, posv):
        base = b * _L
        cls16 = cls_v[pl.ds(base, _L)]
        own = jnp.logical_and(cls16 >= c0, cls16 < c1)
        mv = jnp.where(own, lanes + 1, 0)

        def w_cond(st):
            return st[1] > 0

        def w_body(st):
            mv, mx, posv = st
            j = mx - 1
            c = cls16.at[zeros16 + j].get(mode="promise_in_bounds")[0]
            lc = c - c0
            pos = posv.at[zeros16 + lc].get(mode="promise_in_bounds")[0]
            wl_v[lc, pl.ds(pos, _L)] = zeros16 + (base + j)
            posv = posv + (lanes == lc).astype(jnp.int32)
            mv = jnp.where(lanes == j, 0, mv)
            return mv, treemax(mv), posv

        st = lax.while_loop(w_cond, w_body, (mv, treemax(mv), posv))
        return st[2]

    posv = lax.fori_loop(0, _NBLK, blk_body, zeros16)
    nch = c1 - c0

    boxes_cp.wait()
    slab_cp.wait()

    @pl.when(owns3)
    def _():
        slab2_cp.wait()

    def chan_body(lc, carry):
        cnt = posv.at[zeros16 + lc].get(mode="promise_in_bounds")[0]

        def splat_body(k, c2):
            i = wl_v[lc, pl.ds(k, _L)][0]
            bv = boxes_v[pl.ds(4 * i, _L)]
            cx = (bv[0] + bv[2]) // 2
            cy = (bv[1] + bv[3]) // 2
            y0 = jnp.clip(cy - _R, 0, _H - _L)
            dy = (lanes + (y0 - cy)).astype(jnp.float32)
            ey = jnp.exp(-(dy * dy))
            for r in range(2 * _R + 1):
                x = jnp.clip(cx + (r - _R), 0, _W - 1)
                g = ey if r == _R else _GX[r] * ey
                old = buf[lc, x, pl.ds(y0, _L)]
                buf[lc, x, pl.ds(y0, _L)] = jnp.maximum(old, g)
            return c2

        lax.fori_loop(0, cnt, splat_body, 0)
        pltpu.make_async_copy(buf.at[lc], out_hbm.at[c0 + lc], sem_wb).start()
        return carry

    lax.fori_loop(0, nch, chan_body, 0)

    waiter = pltpu.make_async_copy(buf.at[0], out_hbm.at[c0], sem_wb)

    def wait_body(lc, carry):
        waiter.wait()
        return carry

    lax.fori_loop(0, nch, wait_body, 0)


def kernel(heatmap, boxes, classes):
    if boxes.dtype != jnp.int32:
        boxes = boxes.astype(jnp.int32)
    if classes.dtype != jnp.int32:
        classes = classes.astype(jnp.int32)
    boxes_flat = boxes.reshape(-1)
    cls_in = classes

    mesh = plsc.VectorSubcoreMesh(
        core_axis_name="c", subcore_axis_name="s", num_cores=2, num_subcores=16
    )
    run = functools.partial(
        pl.kernel,
        out_type=jax.ShapeDtypeStruct((_C, _W, _H), jnp.float32),
        mesh=mesh,
        compiler_params=pltpu.CompilerParams(needs_layout_passes=False),
        scratch_types=[
            pltpu.VMEM((_MAXC, _W, _H), jnp.float32),
            pltpu.VMEM((4 * _NPAD,), jnp.int32),
            pltpu.VMEM((_NPAD,), jnp.int32),
            pltpu.VMEM((_MAXC, _NPAD + _L), jnp.int32),
            pltpu.SemaphoreType.DMA,
            pltpu.SemaphoreType.DMA,
            pltpu.SemaphoreType.DMA,
            pltpu.SemaphoreType.DMA,
        ],
    )(_splat_kernel)
    return run(heatmap, boxes_flat, cls_in)

# --- scband reference (transcript-rebuilt; emitter-appended) ---
"""Pipeline reference for scband-process-heatmap-gt-57346403336664 (READ-ONLY COPY).

The authoritative reference and input builder live on the scoring server;
editing this copy changes nothing except your own understanding.
"""

import jax, jax.numpy as jnp
import numpy as np

MIN_RADIUS = 60


def setup_inputs(seed: int = 0) -> dict:
    key = jax.random.key(seed)
    k1, k2 = jax.random.split(key)
    N = 1000
    C, W, H = 80, 128, 128
    heatmap = jnp.zeros((C, W, H), dtype=jnp.float32)
    # integer box coordinates in [0, 128)
    boxes = jax.random.randint(k1, (N, 4), 0, 128, dtype=jnp.int32)
    classes = jax.random.randint(k2, (N,), 0, C, dtype=jnp.int32)
    return {"heatmap": heatmap, "boxes": boxes, "classes": classes}


def reference(heatmap, boxes, classes):
    # Faithful vectorized translation of Process_Heatmap_GT.draw_gaussian applied to N boxes.
    # Torch code: m = n = int((2*min_radius - 1)/2) = 59, grid -m..m (119x119 kernel).
    # kernel = exp(-(x^2+y^2)) / 2 * sigma^2 then divided by its own max (= sigma^2/2),
    # so the normalized kernel is exactly exp(-(x^2+y^2)) independent of sigma.
    # Placement window is [cx-59, cx+60) x [cy-59, cy+60), clipped at heatmap borders,
    # merged into the heatmap with elementwise max per class channel.
    C, W, H = heatmap.shape
    m = (2 * MIN_RADIUS - 1) // 2  # 59
    x1 = boxes[:, 0]
    y1 = boxes[:, 1]
    x2 = boxes[:, 2]
    y2 = boxes[:, 3]
    cx = ((x1 + x2) // 2).astype(jnp.int32)  # keypoint, int() truncation as in torch code
    cy = ((y1 + y2) // 2).astype(jnp.int32)
    I = jnp.arange(W, dtype=jnp.int32)[:, None]   # first spatial dim (indexed by x in torch code)
    J = jnp.arange(H, dtype=jnp.int32)[None, :]   # second spatial dim (indexed by y)

    def one_box(cxi, cyi):
        dx = I - cxi
        dy = J - cyi
        g = jnp.exp(-(dx.astype(jnp.float32) ** 2 + dy.astype(jnp.float32) ** 2))
        mask = (jnp.abs(dx) <= m) & (jnp.abs(dy) <= m)
        return jnp.where(mask, g, 0.0)

    contrib = jax.vmap(one_box)(cx, cy)  # [N, W, H]
    seg = jax.ops.segment_max(contrib, classes, num_segments=C)  # [C, W, H], -inf for empty classes
    out = jnp.maximum(heatmap, seg)
    return out

if __name__ == "__main__":
    import jax
    _d = setup_inputs()
    print(jax.jit(kernel)(*tuple(_d.values())))

</pallas_src>

<mosaic_0001>
#map = affine_map<(d0, d1) -> (0, 0, 0)>
#map1 = affine_map<(d0, d1) -> (0)>
module attributes {stable_mosaic.version = 14 : i64} {
  func.func @_splat_kernel(%arg0: i32, %arg1: i32, %arg2: memref<80x128x128xf32, #tpu.memory_space<hbm>>, %arg3: memref<4000xi32, #tpu.memory_space<hbm>>, %arg4: memref<1000xi32, #tpu.memory_space<hbm>>, %arg5: memref<80x128x128xf32, #tpu.memory_space<hbm>>, %arg6: memref<3x128x128xf32, #tpu.memory_space<vmem>>, %arg7: memref<4096xi32, #tpu.memory_space<vmem>>, %arg8: memref<1024xi32, #tpu.memory_space<vmem>>, %arg9: memref<3x1040xi32, #tpu.memory_space<vmem>>, %arg10: memref<!tpu.dma_semaphore, #tpu.memory_space<semaphore_mem>>, %arg11: memref<!tpu.dma_semaphore, #tpu.memory_space<semaphore_mem>>, %arg12: memref<!tpu.dma_semaphore, #tpu.memory_space<semaphore_mem>>, %arg13: memref<!tpu.dma_semaphore, #tpu.memory_space<semaphore_mem>>) attributes {dimension_semantics = [#tpu.dimension_semantics<core_parallel>, #tpu.dimension_semantics<subcore_parallel>], iteration_bounds = array<i64: 2, 16>, scalar_prefetch = 0 : i64, scratch_operands = 8 : i64, tpu.core_type = #tpu.core_type<sc_vector_subcore>, window_params = [{transform_indices = #map}, {transform_indices = #map1}, {transform_indices = #map1}, {transform_indices = #map}]} {
    %mul3A = arith.constant 2 : i32
    %mul3A_0 = arith.muli %arg1, %mul3A : i32
    %add3A = arith.addi %mul3A_0, %arg0 : i32
    %mul3A_1 = arith.constant 80 : i32
    %mul3A_2 = arith.muli %add3A, %mul3A_1 : i32
    %jit3A = arith.constant 32 : i32
    %div3A = arith.divsi %mul3A_2, %jit3A : i32
    %sign3A = arith.constant 0 : i32
    %sign3A_3 = arith.cmpi sgt, %mul3A_2, %sign3A : i32
    %sign3A_4 = arith.extui %sign3A_3 : i1 to i32
    %sign3A_5 = arith.constant 0 : i32
    %sign3A_6 = arith.cmpi slt, %mul3A_2, %sign3A_5 : i32
    %sign3A_7 = arith.extui %sign3A_6 : i1 to i32
    %sign3A_8 = arith.subi %sign3A_4, %sign3A_7 : i32
    %sign3A_9 = arith.constant 0 : i32
    %sign3A_10 = arith.cmpi sgt, %jit3A, %sign3A_9 : i32
    %sign3A_11 = arith.extui %sign3A_10 : i1 to i32
    %sign3A_12 = arith.constant 0 : i32
    %sign3A_13 = arith.cmpi slt, %jit3A, %sign3A_12 : i32
    %sign3A_14 = arith.extui %sign3A_13 : i1 to i32
    %sign3A_15 = arith.subi %sign3A_11, %sign3A_14 : i32
    %ne3A = arith.cmpi ne, %sign3A_8, %sign3A_15 : i32
    %rem3A = arith.remsi %mul3A_2, %jit3A : i32
    %ne3A_16 = arith.constant 0 : i32
    %ne3A_17 = arith.cmpi ne, %rem3A, %ne3A_16 : i32
    %and3A = arith.andi %ne3A, %ne3A_17 : i1
    %sub3A = arith.constant 1 : i32
    %sub3A_18 = arith.subi %div3A, %sub3A : i32
    %select_n3A = arith.select %and3A, %sub3A_18, %div3A : i32
    %add3A_19 = arith.constant 1 : i32
    %add3A_20 = arith.addi %add3A, %add3A_19 : i32
    %mul3A_21 = arith.constant 80 : i32
    %mul3A_22 = arith.muli %add3A_20, %mul3A_21 : i32
    %jit3A_23 = arith.constant 32 : i32
    %div3A_24 = arith.divsi %mul3A_22, %jit3A_23 : i32
    %sign3A_25 = arith.constant 0 : i32
    %sign3A_26 = arith.cmpi sgt, %mul3A_22, %sign3A_25 : i32
    %sign3A_27 = arith.extui %sign3A_26 : i1 to i32
    %sign3A_28 = arith.constant 0 : i32
    %sign3A_29 = arith.cmpi slt, %mul3A_22, %sign3A_28 : i32
    %sign3A_30 = arith.extui %sign3A_29 : i1 to i32
    %sign3A_31 = arith.subi %sign3A_27, %sign3A_30 : i32
    %sign3A_32 = arith.constant 0 : i32
    %sign3A_33 = arith.cmpi sgt, %jit3A_23, %sign3A_32 : i32
    %sign3A_34 = arith.extui %sign3A_33 : i1 to i32
    %sign3A_35 = arith.constant 0 : i32
    %sign3A_36 = arith.cmpi slt, %jit3A_23, %sign3A_35 : i32
    %sign3A_37 = arith.extui %sign3A_36 : i1 to i32
    %sign3A_38 = arith.subi %sign3A_34, %sign3A_37 : i32
    %ne3A_39 = arith.cmpi ne, %sign3A_31, %sign3A_38 : i32
    %rem3A_40 = arith.remsi %mul3A_22, %jit3A_23 : i32
    %ne3A_41 = arith.constant 0 : i32
    %ne3A_42 = arith.cmpi ne, %rem3A_40, %ne3A_41 : i32
    %and3A_43 = arith.andi %ne3A_39, %ne3A_42 : i1
    %sub3A_44 = arith.constant 1 : i32
    %sub3A_45 = arith.subi %div3A_24, %sub3A_44 : i32
    %select_n3A_46 = arith.select %and3A_43, %sub3A_45, %div3A_24 : i32
    %sub3A_47 = arith.subi %select_n3A_46, %select_n3A : i32
    %eq3A = arith.constant 3 : i32
    %eq3A_48 = arith.cmpi eq, %sub3A_47, %eq3A : i32
    %dma_start3A = arith.constant 0 : i32
    %dma_start3A_49 = arith.constant 0 : i32
    %dma_start3A_50 = arith.constant 0 : i32
    %dma_start3A_51 = tpu.memref_slice %arg6[%dma_start3A, %dma_start3A_49, %dma_start3A_50] : memref<3x128x128xf32, #tpu.memory_space<vmem>> -> memref<2x128x128xf32, #tpu.memory_space<vmem>>
    %dma_start3A_52 = arith.constant 0 : i32
    %dma_start3A_53 = arith.constant 0 : i32
    %dma_start3A_54 = tpu.memref_slice %arg2[%select_n3A, %dma_start3A_52, %dma_start3A_53] : memref<80x128x128xf32, #tpu.memory_space<hbm>> -> memref<2x128x128xf32, #tpu.memory_space<hbm>>
    %dma_start3A_55 = arith.constant 0 : i32
    %dma_start3A_56 = arith.constant 0 : i32
    %dma_start3A_57 = arith.constant 0 : i32
    %dma_start3A_58 = tpu.memref_slice %arg6[%dma_start3A_55, %dma_start3A_56, %dma_start3A_57] : memref<3x128x128xf32, #tpu.memory_space<vmem>> -> memref<2x128x128xf32, #tpu.memory_space<vmem>>
    %dma_start3A_59 = arith.constant 0 : i32
    %dma_start3A_60 = arith.constant 0 : i32
    %dma_start3A_61 = tpu.memref_slice %arg2[%select_n3A, %dma_start3A_59, %dma_start3A_60] : memref<80x128x128xf32, #tpu.memory_space<hbm>> -> memref<2x128x128xf32, #tpu.memory_space<hbm>>
    tpu.enqueue_dma source(%dma_start3A_61 : memref<2x128x128xf32, #tpu.memory_space<hbm>>) target(%dma_start3A_58 : memref<2x128x128xf32, #tpu.memory_space<vmem>>) target_semaphore(%arg10 : memref<!tpu.dma_semaphore, #tpu.memory_space<semaphore_mem>>)
    %add3A_62 = arith.constant 2 : i32
    %add3A_63 = arith.addi %select_n3A, %add3A_62 : i32
    %convert_element_type3A = arith.extui %eq3A_48 : i1 to i32
    %cond3A = arith.constant 2 : i32
    %cond3A_64 = arith.constant 0 : i32
    %cond3A_65 = arith.cmpi ne, %convert_element_type3A, %cond3A_64 : i32
    scf.if %cond3A_65 {
      %dma_start3A_123 = arith.constant 0 : i32
      %dma_start3A_124 = arith.constant 0 : i32
      %dma_start3A_125 = tpu.memref_slice %arg6[%cond3A, %dma_start3A_123, %dma_start3A_124] : memref<3x128x128xf32, #tpu.memory_space<vmem>> -> memref<1x128x128xf32, #tpu.memory_space<vmem>>
      %dma_start3A_126 = tpu.memref_squeeze %dma_start3A_125 : memref<1x128x128xf32, #tpu.memory_space<vmem>> -> memref<128x128xf32, #tpu.memory_space<vmem>>
      %dma_start3A_127 = arith.constant 0 : i32
      %dma_start3A_128 = arith.constant 0 : i32
      %dma_start3A_129 = tpu.memref_slice %arg2[%add3A_63, %dma_start3A_127, %dma_start3A_128] : memref<80x128x128xf32, #tpu.memory_space<hbm>> -> memref<1x128x128xf32, #tpu.memory_space<hbm>>
      %dma_start3A_130 = tpu.memref_squeeze %dma_start3A_129 : memref<1x128x128xf32, #tpu.memory_space<hbm>> -> memref<128x128xf32, #tpu.memory_space<hbm>>
      %dma_start3A_131 = arith.constant 0 : i32
      %dma_start3A_132 = arith.constant 0 : i32
      %dma_start3A_133 = tpu.memref_slice %arg6[%cond3A, %dma_start3A_131, %dma_start3A_132] : memref<3x128x128xf32, #tpu.memory_space<vmem>> -> memref<1x128x128xf32, #tpu.memory_space<vmem>>
      %dma_start3A_134 = tpu.memref_squeeze %dma_start3A_133 : memref<1x128x128xf32, #tpu.memory_space<vmem>> -> memref<128x128xf32, #tpu.memory_space<vmem>>
      %dma_start3A_135 = arith.constant 0 : i32
      %dma_start3A_136 = arith.constant 0 : i32
      %dma_start3A_137 = tpu.memref_slice %arg2[%add3A_63, %dma_start3A_135, %dma_start3A_136] : memref<80x128x128xf32, #tpu.memory_space<hbm>> -> memref<1x128x128xf32, #tpu.memory_space<hbm>>
      %dma_start3A_138 = tpu.memref_squeeze %dma_start3A_137 : memref<1x128x128xf32, #tpu.memory_space<hbm>> -> memref<128x128xf32, #tpu.memory_space<hbm>>
      tpu.enqueue_dma source(%dma_start3A_138 : memref<128x128xf32, #tpu.memory_space<hbm>>) target(%dma_start3A_134 : memref<128x128xf32, #tpu.memory_space<vmem>>) target_semaphore(%arg11 : memref<!tpu.dma_semaphore, #tpu.memory_space<semaphore_mem>>)
    } else {
    }
    %dma_start3A_66 = arith.constant 0 : i32
    %dma_start3A_67 = tpu.memref_slice %arg7[%dma_start3A_66] : memref<4096xi32, #tpu.memory_space<vmem>> -> memref<4000xi32, #tpu.memory_space<vmem>>
    %dma_start3A_68 = arith.constant 0 : i32
    %dma_start3A_69 = tpu.memref_slice %arg7[%dma_start3A_68] : memref<4096xi32, #tpu.memory_space<vmem>> -> memref<4000xi32, #tpu.memory_space<vmem>>
    tpu.enqueue_dma source(%arg3 : memref<4000xi32, #tpu.memory_space<hbm>>) target(%dma_start3A_69 : memref<4000xi32, #tpu.memory_space<vmem>>) target_semaphore(%arg12 : memref<!tpu.dma_semaphore, #tpu.memory_space<semaphore_mem>>)
    %broadcast_in_dim3A = arith.constant 81 : i32
    %broadcast_in_dim3A_70 = vector.broadcast %broadcast_in_dim3A : i32 to vector<16xi32>
    %swap3A = arith.constant 992 : index
    %swap3A_71 = tpu.vector_load %arg8[%swap3A] {strides = array<i32>} : memref<1024xi32, #tpu.memory_space<vmem>>, vector<16xi32>,
    tpu.vector_store %arg8[%swap3A], %broadcast_in_dim3A_70 {strides = array<i32>} : memref<1024xi32, #tpu.memory_space<vmem>>, vector<16xi32>,
    %swap3A_72 = arith.constant 1008 : index
    %swap3A_73 = tpu.vector_load %arg8[%swap3A_72] {strides = array<i32>} : memref<1024xi32, #tpu.memory_space<vmem>>, vector<16xi32>,
    tpu.vector_store %arg8[%swap3A_72], %broadcast_in_dim3A_70 {strides = array<i32>} : memref<1024xi32, #tpu.memory_space<vmem>>, vector<16xi32>,
    "tpu.region"() ({
      %run_scoped3A = tpu.sem_alloc : memref<!tpu.dma_semaphore, #tpu.memory_space<semaphore_mem>>
      %dma_start3A_123 = arith.constant 0 : i32
      %dma_start3A_124 = tpu.memref_slice %arg8[%dma_start3A_123] : memref<1024xi32, #tpu.memory_space<vmem>> -> memref<1000xi32, #tpu.memory_space<vmem>>
      %dma_start3A_125 = arith.constant 0 : i32
      %dma_start3A_126 = tpu.memref_slice %arg8[%dma_start3A_125] : memref<1024xi32, #tpu.memory_space<vmem>> -> memref<1000xi32, #tpu.memory_space<vmem>>
      tpu.enqueue_dma source(%arg4 : memref<1000xi32, #tpu.memory_space<hbm>>) target(%dma_start3A_126 : memref<1000xi32, #tpu.memory_space<vmem>>) target_semaphore(%run_scoped3A : memref<!tpu.dma_semaphore, #tpu.memory_space<semaphore_mem>>)
      %dma_wait3A_127 = arith.constant 0 : i32
      %dma_wait3A_128 = tpu.memref_slice %arg8[%dma_wait3A_127] : memref<1024xi32, #tpu.memory_space<vmem>> -> memref<1000xi32, #tpu.memory_space<vmem>>
      %dma_wait3A_129 = arith.constant 0 : i32
      %dma_wait3A_130 = tpu.memref_slice %arg8[%dma_wait3A_129] : memref<1024xi32, #tpu.memory_space<vmem>> -> memref<1000xi32, #tpu.memory_space<vmem>>
      tpu.wait_dma2 semaphore(%run_scoped3A : memref<!tpu.dma_semaphore, #tpu.memory_space<semaphore_mem>>) src(%arg4 : memref<1000xi32, #tpu.memory_space<hbm>>) dst(%dma_wait3A_130 : memref<1000xi32, #tpu.memory_space<vmem>>)
      tpu.yield
    }) : () -> ()
    %iota3A = tpu.iota {dimensions = array<i32: 0>} : vector<16xi32>
    %broadcast_in_dim3A_74 = arith.constant 0 : i32
    %broadcast_in_dim3A_75 = vector.broadcast %broadcast_in_dim3A_74 : i32 to vector<16xi32>
    %scan3A = arith.constant 0 : i32
    %scan3A_76 = arith.constant 64 : i32
    %scan3A_77 = arith.addi %scan3A, %scan3A_76 : i32
    %scan3A_78 = arith.constant 1 : i32
    %scan3A_79 = scf.for %scan3A_123 = %scan3A to %scan3A_77 step %scan3A_78 iter_args(%scan3A_124 = %broadcast_in_dim3A_75) -> (vector<16xi32>)  : i32 {
      %mul3A_125 = arith.constant 16 : i32
      %mul3A_126 = arith.muli %scan3A_123, %mul3A_125 : i32
      %get3A = arith.index_cast %mul3A_126 : i32 to index
      %get3A_127 = tpu.vector_load %arg8[%get3A] {strides = array<i32>} : memref<1024xi32, #tpu.memory_space<vmem>>, vector<16xi32>,
      %ge3A = vector.broadcast %select_n3A : i32 to vector<16xi32>
      %ge3A_128 = arith.cmpi sge, %get3A_127, %ge3A : vector<16xi32>
      %lt3A = vector.broadcast %select_n3A_46 : i32 to vector<16xi32>
      %lt3A_129 = arith.cmpi slt, %get3A_127, %lt3A : vector<16xi32>
      %and3A_130 = arith.andi %ge3A_128, %lt3A_129 : vector<16xi1>
      %add3A_131 = arith.constant 1 : i32
      %add3A_132 = vector.broadcast %add3A_131 : i32 to vector<16xi32>
      %add3A_133 = arith.addi %iota3A, %add3A_132 : vector<16xi32>
      %jit3A_134 = arith.constant 0 : i32
      %broadcast_in_dim3A_135 = vector.broadcast %jit3A_134 : i32 to vector<16xi32>
      %select_n3A_136 = arith.select %and3A_130, %add3A_133, %broadcast_in_dim3A_135 : vector<16xi1>, vector<16xi32>
      %xor3A = arith.constant 1 : i32
      %xor3A_137 = vector.broadcast %xor3A : i32 to vector<16xi32>
      %xor3A_138 = arith.xori %iota3A, %xor3A_137 : vector<16xi32>
      %lt3A_139 = arith.constant 0 : i32
      %lt3A_140 = vector.broadcast %lt3A_139 : i32 to vector<16xi32>
      %lt3A_141 = arith.cmpi slt, %xor3A_138, %lt3A_140 : vector<16xi32>
      %add3A_142 = arith.constant 16 : i32
      %add3A_143 = vector.broadcast %add3A_142 : i32 to vector<16xi32>
      %add3A_144 = arith.addi %xor3A_138, %add3A_143 : vector<16xi32>
      %select_n3A_145 = arith.select %lt3A_141, %add3A_144, %xor3A_138 : vector<16xi1>, vector<16xi32>
      %broadcast_in_dim3A_146 = vector.shape_cast %select_n3A_145 : vector<16xi32> to vector<16x1xi32>
      %gather3A = vector.shape_cast %broadcast_in_dim3A_146 : vector<16x1xi32> to vector<16xi32>
      %gather3A_147 = tpu.dynamic_gather %select_n3A_136[%gather3A] in [0] : vector<16xi32>, vector<16xi32> -> vector<16xi32>
      %max3A = arith.maxsi %select_n3A_136, %gather3A_147 : vector<16xi32>
      %xor3A_148 = arith.constant 2 : i32
      %xor3A_149 = vector.broadcast %xor3A_148 : i32 to vector<16xi32>
      %xor3A_150 = arith.xori %iota3A, %xor3A_149 : vector<16xi32>
      %lt3A_151 = arith.constant 0 : i32
      %lt3A_152 = vector.broadcast %lt3A_151 : i32 to vector<16xi32>
      %lt3A_153 = arith.cmpi slt, %xor3A_150, %lt3A_152 : vector<16xi32>
      %add3A_154 = arith.constant 16 : i32
      %add3A_155 = vector.broadcast %add3A_154 : i32 to vector<16xi32>
      %add3A_156 = arith.addi %xor3A_150, %add3A_155 : vector<16xi32>
      %select_n3A_157 = arith.select %lt3A_153, %add3A_156, %xor3A_150 : vector<16xi1>, vector<16xi32>
      %broadcast_in_dim3A_158 = vector.shape_cast %select_n3A_157 : vector<16xi32> to vector<16x1xi32>
      %gather3A_159 = vector.shape_cast %broadcast_in_dim3A_158 : vector<16x1xi32> to vector<16xi32>
      %gather3A_160 = tpu.dynamic_gather %max3A[%gather3A_159] in [0] : vector<16xi32>, vector<16xi32> -> vector<16xi32>
      %max3A_161 = arith.maxsi %max3A, %gather3A_160 : vector<16xi32>
      %xor3A_162 = arith.constant 4 : i32
      %xor3A_163 = vector.broadcast %xor3A_162 : i32 to vector<16xi32>
      %xor3A_164 = arith.xori %iota3A, %xor3A_163 : vector<16xi32>
      %lt3A_165 = arith.constant 0 : i32
      %lt3A_166 = vector.broadcast %lt3A_165 : i32 to vector<16xi32>
      %lt3A_167 = arith.cmpi slt, %xor3A_164, %lt3A_166 : vector<16xi32>
      %add3A_168 = arith.constant 16 : i32
      %add3A_169 = vector.broadcast %add3A_168 : i32 to vector<16xi32>
      %add3A_170 = arith.addi %xor3A_164, %add3A_169 : vector<16xi32>
      %select_n3A_171 = arith.select %lt3A_167, %add3A_170, %xor3A_164 : vector<16xi1>, vector<16xi32>
      %broadcast_in_dim3A_172 = vector.shape_cast %select_n3A_171 : vector<16xi32> to vector<16x1xi32>
      %gather3A_173 = vector.shape_cast %broadcast_in_dim3A_172 : vector<16x1xi32> to vector<16xi32>
      %gather3A_174 = tpu.dynamic_gather %max3A_161[%gather3A_173] in [0] : vector<16xi32>, vector<16xi32> -> vector<16xi32>
      %max3A_175 = arith.maxsi %max3A_161, %gather3A_174 : vector<16xi32>
      %xor3A_176 = arith.constant 8 : i32
      %xor3A_177 = vector.broadcast %xor3A_176 : i32 to vector<16xi32>
      %xor3A_178 = arith.xori %iota3A, %xor3A_177 : vector<16xi32>
      %lt3A_179 = arith.constant 0 : i32
      %lt3A_180 = vector.broadcast %lt3A_179 : i32 to vector<16xi32>
      %lt3A_181 = arith.cmpi slt, %xor3A_178, %lt3A_180 : vector<16xi32>
      %add3A_182 = arith.constant 16 : i32
      %add3A_183 = vector.broadcast %add3A_182 : i32 to vector<16xi32>
      %add3A_184 = arith.addi %xor3A_178, %add3A_183 : vector<16xi32>
      %select_n3A_185 = arith.select %lt3A_181, %add3A_184, %xor3A_178 : vector<16xi1>, vector<16xi32>
      %broadcast_in_dim3A_186 = vector.shape_cast %select_n3A_185 : vector<16xi32> to vector<16x1xi32>
      %gather3A_187 = vector.shape_cast %broadcast_in_dim3A_186 : vector<16x1xi32> to vector<16xi32>
      %gather3A_188 = tpu.dynamic_gather %max3A_175[%gather3A_187] in [0] : vector<16xi32>, vector<16xi32> -> vector<16xi32>
      %max3A_189 = arith.maxsi %max3A_175, %gather3A_188 : vector<16xi32>
      %slice3A = vector.extract_strided_slice %max3A_189 {offsets = [0], sizes = [1], strides = [1]} : vector<16xi32> to vector<1xi32>
      %squeeze3A = vector.extract %slice3A[0] : i32 from vector<1xi32>
      %while3A_190:3 = scf.while (%while3A_191 = %select_n3A_136, %while3A_192 = %squeeze3A, %while3A_193 = %scan3A_124) : (vector<16xi32>, i32, vector<16xi32>) -> (vector<16xi32>, i32, vector<16xi32>) {
        %gt3A = arith.constant 0 : i32
        %gt3A_194 = arith.cmpi sgt, %while3A_192, %gt3A : i32
        scf.condition(%gt3A_194) %while3A_191, %while3A_192, %while3A_193 : vector<16xi32>, i32, vector<16xi32>
      } do {
      ^bb0(%while3A_191: vector<16xi32>, %while3A_192: i32, %while3A_193: vector<16xi32>):
        %sub3A_194 = arith.constant 1 : i32
        %sub3A_195 = arith.subi %while3A_192, %sub3A_194 : i32
        %add3A_196 = vector.broadcast %sub3A_195 : i32 to vector<16xi32>
        %add3A_197 = arith.addi %broadcast_in_dim3A_75, %add3A_196 : vector<16xi32>
        %lt3A_198 = arith.constant 0 : i32
        %lt3A_199 = vector.broadcast %lt3A_198 : i32 to vector<16xi32>
        %lt3A_200 = arith.cmpi slt, %add3A_197, %lt3A_199 : vector<16xi32>
        %add3A_201 = arith.constant 16 : i32
        %add3A_202 = vector.broadcast %add3A_201 : i32 to vector<16xi32>
        %add3A_203 = arith.addi %add3A_197, %add3A_202 : vector<16xi32>
        %select_n3A_204 = arith.select %lt3A_200, %add3A_203, %add3A_197 : vector<16xi1>, vector<16xi32>
        %broadcast_in_dim3A_205 = vector.shape_cast %select_n3A_204 : vector<16xi32> to vector<16x1xi32>
        %gather3A_206 = vector.shape_cast %broadcast_in_dim3A_205 : vector<16x1xi32> to vector<16xi32>
        %gather3A_207 = tpu.dynamic_gather %get3A_127[%gather3A_206] in [0] : vector<16xi32>, vector<16xi32> -> vector<16xi32>
        %slice3A_208 = vector.extract_strided_slice %gather3A_207 {offsets = [0], sizes = [1], strides = [1]} : vector<16xi32> to vector<1xi32>
        %squeeze3A_209 = vector.extract %slice3A_208[0] : i32 from vector<1xi32>
        %sub3A_210 = arith.subi %squeeze3A_209, %select_n3A : i32
        %add3A_211 = vector.broadcast %sub3A_210 : i32 to vector<16xi32>
        %add3A_212 = arith.addi %broadcast_in_dim3A_75, %add3A_211 : vector<16xi32>
        %lt3A_213 = arith.constant 0 : i32
        %lt3A_214 = vector.broadcast %lt3A_213 : i32 to vector<16xi32>
        %lt3A_215 = arith.cmpi slt, %add3A_212, %lt3A_214 : vector<16xi32>
        %add3A_216 = arith.constant 16 : i32
        %add3A_217 = vector.broadcast %add3A_216 : i32 to vector<16xi32>
        %add3A_218 = arith.addi %add3A_212, %add3A_217 : vector<16xi32>
        %select_n3A_219 = arith.select %lt3A_215, %add3A_218, %add3A_212 : vector<16xi1>, vector<16xi32>
        %broadcast_in_dim3A_220 = vector.shape_cast %select_n3A_219 : vector<16xi32> to vector<16x1xi32>
        %gather3A_221 = vector.shape_cast %broadcast_in_dim3A_220 : vector<16x1xi32> to vector<16xi32>
        %gather3A_222 = tpu.dynamic_gather %while3A_193[%gather3A_221] in [0] : vector<16xi32>, vector<16xi32> -> vector<16xi32>
        %slice3A_223 = vector.extract_strided_slice %gather3A_222 {offsets = [0], sizes = [1], strides = [1]} : vector<16xi32> to vector<1xi32>
        %squeeze3A_224 = vector.extract %slice3A_223[0] : i32 from vector<1xi32>
        %add3A_225 = arith.addi %mul3A_126, %sub3A_195 : i32
        %add3A_226 = vector.broadcast %add3A_225 : i32 to vector<16xi32>
        %add3A_227 = arith.addi %broadcast_in_dim3A_75, %add3A_226 : vector<16xi32>
        %swap3A_228 = arith.index_cast %sub3A_210 : i32 to index
        %swap3A_229 = arith.index_cast %squeeze3A_224 : i32 to index
        %swap3A_230 = tpu.vector_load %arg9[%swap3A_228, %swap3A_229] {strides = array<i32>} : memref<3x1040xi32, #tpu.memory_space<vmem>>, vector<16xi32>,
        tpu.vector_store %arg9[%swap3A_228, %swap3A_229], %add3A_227 {strides = array<i32>} : memref<3x1040xi32, #tpu.memory_space<vmem>>, vector<16xi32>,
        %eq3A_231 = vector.broadcast %sub3A_210 : i32 to vector<16xi32>
        %eq3A_232 = arith.cmpi eq, %iota3A, %eq3A_231 : vector<16xi32>
        %convert_element_type3A_233 = arith.extui %eq3A_232 : vector<16xi1> to vector<16xi32>
        %add3A_234 = arith.addi %while3A_193, %convert_element_type3A_233 : vector<16xi32>
        %eq3A_235 = vector.broadcast %sub3A_195 : i32 to vector<16xi32>
        %eq3A_236 = arith.cmpi eq, %iota3A, %eq3A_235 : vector<16xi32>
        %jit3A_237 = arith.constant 0 : i32
        %broadcast_in_dim3A_238 = vector.broadcast %jit3A_237 : i32 to vector<16xi32>
        %select_n3A_239 = arith.select %eq3A_236, %broadcast_in_dim3A_238, %while3A_191 : vector<16xi1>, vector<16xi32>
        %xor3A_240 = arith.constant 1 : i32
        %xor3A_241 = vector.broadcast %xor3A_240 : i32 to vector<16xi32>
        %xor3A_242 = arith.xori %iota3A, %xor3A_241 : vector<16xi32>
        %lt3A_243 = arith.constant 0 : i32
        %lt3A_244 = vector.broadcast %lt3A_243 : i32 to vector<16xi32>
        %lt3A_245 = arith.cmpi slt, %xor3A_242, %lt3A_244 : vector<16xi32>
        %add3A_246 = arith.constant 16 : i32
        %add3A_247 = vector.broadcast %add3A_246 : i32 to vector<16xi32>
        %add3A_248 = arith.addi %xor3A_242, %add3A_247 : vector<16xi32>
        %select_n3A_249 = arith.select %lt3A_245, %add3A_248, %xor3A_242 : vector<16xi1>, vector<16xi32>
        %broadcast_in_dim3A_250 = vector.shape_cast %select_n3A_249 : vector<16xi32> to vector<16x1xi32>
        %gather3A_251 = vector.shape_cast %broadcast_in_dim3A_250 : vector<16x1xi32> to vector<16xi32>
        %gather3A_252 = tpu.dynamic_gather %select_n3A_239[%gather3A_251] in [0] : vector<16xi32>, vector<16xi32> -> vector<16xi32>
        %max3A_253 = arith.maxsi %select_n3A_239, %gather3A_252 : vector<16xi32>
        %xor3A_254 = arith.constant 2 : i32
        %xor3A_255 = vector.broadcast %xor3A_254 : i32 to vector<16xi32>
        %xor3A_256 = arith.xori %iota3A, %xor3A_255 : vector<16xi32>
        %lt3A_257 = arith.constant 0 : i32
        %lt3A_258 = vector.broadcast %lt3A_257 : i32 to vector<16xi32>
        %lt3A_259 = arith.cmpi slt, %xor3A_256, %lt3A_258 : vector<16xi32>
        %add3A_260 = arith.constant 16 : i32
        %add3A_261 = vector.broadcast %add3A_260 : i32 to vector<16xi32>
        %add3A_262 = arith.addi %xor3A_256, %add3A_261 : vector<16xi32>
        %select_n3A_263 = arith.select %lt3A_259, %add3A_262, %xor3A_256 : vector<16xi1>, vector<16xi32>
        %broadcast_in_dim3A_264 = vector.shape_cast %select_n3A_263 : vector<16xi32> to vector<16x1xi32>
        %gather3A_265 = vector.shape_cast %broadcast_in_dim3A_264 : vector<16x1xi32> to vector<16xi32>
        %gather3A_266 = tpu.dynamic_gather %max3A_253[%gather3A_265] in [0] : vector<16xi32>, vector<16xi32> -> vector<16xi32>
        %max3A_267 = arith.maxsi %max3A_253, %gather3A_266 : vector<16xi32>
        %xor3A_268 = arith.constant 4 : i32
        %xor3A_269 = vector.broadcast %xor3A_268 : i32 to vector<16xi32>
        %xor3A_270 = arith.xori %iota3A, %xor3A_269 : vector<16xi32>
        %lt3A_271 = arith.constant 0 : i32
        %lt3A_272 = vector.broadcast %lt3A_271 : i32 to vector<16xi32>
        %lt3A_273 = arith.cmpi slt, %xor3A_270, %lt3A_272 : vector<16xi32>
        %add3A_274 = arith.constant 16 : i32
        %add3A_275 = vector.broadcast %add3A_274 : i32 to vector<16xi32>
        %add3A_276 = arith.addi %xor3A_270, %add3A_275 : vector<16xi32>
        %select_n3A_277 = arith.select %lt3A_273, %add3A_276, %xor3A_270 : vector<16xi1>, vector<16xi32>
        %broadcast_in_dim3A_278 = vector.shape_cast %select_n3A_277 : vector<16xi32> to vector<16x1xi32>
        %gather3A_279 = vector.shape_cast %broadcast_in_dim3A_278 : vector<16x1xi32> to vector<16xi32>
        %gather3A_280 = tpu.dynamic_gather %max3A_267[%gather3A_279] in [0] : vector<16xi32>, vector<16xi32> -> vector<16xi32>
        %max3A_281 = arith.maxsi %max3A_267, %gather3A_280 : vector<16xi32>
        %xor3A_282 = arith.constant 8 : i32
        %xor3A_283 = vector.broadcast %xor3A_282 : i32 to vector<16xi32>
        %xor3A_284 = arith.xori %iota3A, %xor3A_283 : vector<16xi32>
        %lt3A_285 = arith.constant 0 : i32
        %lt3A_286 = vector.broadcast %lt3A_285 : i32 to vector<16xi32>
        %lt3A_287 = arith.cmpi slt, %xor3A_284, %lt3A_286 : vector<16xi32>
        %add3A_288 = arith.constant 16 : i32
        %add3A_289 = vector.broadcast %add3A_288 : i32 to vector<16xi32>
        %add3A_290 = arith.addi %xor3A_284, %add3A_289 : vector<16xi32>
        %select_n3A_291 = arith.select %lt3A_287, %add3A_290, %xor3A_284 : vector<16xi1>, vector<16xi32>
        %broadcast_in_dim3A_292 = vector.shape_cast %select_n3A_291 : vector<16xi32> to vector<16x1xi32>
        %gather3A_293 = vector.shape_cast %broadcast_in_dim3A_292 : vector<16x1xi32> to vector<16xi32>
        %gather3A_294 = tpu.dynamic_gather %max3A_281[%gather3A_293] in [0] : vector<16xi32>, vector<16xi32> -> vector<16xi32>
        %max3A_295 = arith.maxsi %max3A_281, %gather3A_294 : vector<16xi32>
        %slice3A_296 = vector.extract_strided_slice %max3A_295 {offsets = [0], sizes = [1], strides = [1]} : vector<16xi32> to vector<1xi32>
        %squeeze3A_297 = vector.extract %slice3A_296[0] : i32 from vector<1xi32>
        scf.yield %select_n3A_239, %squeeze3A_297, %add3A_234 : vector<16xi32>, i32, vector<16xi32>
      }
      scf.yield %while3A_190#2 : vector<16xi32>
    }
    %scan3A_80 = arith.constant 64 : i32
    %sub3A_81 = arith.subi %select_n3A_46, %select_n3A : i32
    %dma_wait3A = arith.constant 0 : i32
    %dma_wait3A_82 = tpu.memref_slice %arg7[%dma_wait3A] : memref<4096xi32, #tpu.memory_space<vmem>> -> memref<4000xi32, #tpu.memory_space<vmem>>
    %dma_wait3A_83 = arith.constant 0 : i32
    %dma_wait3A_84 = tpu.memref_slice %arg7[%dma_wait3A_83] : memref<4096xi32, #tpu.memory_space<vmem>> -> memref<4000xi32, #tpu.memory_space<vmem>>
    tpu.wait_dma2 semaphore(%arg12 : memref<!tpu.dma_semaphore, #tpu.memory_space<semaphore_mem>>) src(%arg3 : memref<4000xi32, #tpu.memory_space<hbm>>) dst(%dma_wait3A_84 : memref<4000xi32, #tpu.memory_space<vmem>>)
    %dma_wait3A_85 = arith.constant 0 : i32
    %dma_wait3A_86 = arith.constant 0 : i32
    %dma_wait3A_87 = arith.constant 0 : i32
    %dma_wait3A_88 = tpu.memref_slice %arg6[%dma_wait3A_85, %dma_wait3A_86, %dma_wait3A_87] : memref<3x128x128xf32, #tpu.memory_space<vmem>> -> memref<2x128x128xf32, #tpu.memory_space<vmem>>
    %dma_wait3A_89 = arith.constant 0 : i32
    %dma_wait3A_90 = arith.constant 0 : i32
    %dma_wait3A_91 = tpu.memref_slice %arg2[%select_n3A, %dma_wait3A_89, %dma_wait3A_90] : memref<80x128x128xf32, #tpu.memory_space<hbm>> -> memref<2x128x128xf32, #tpu.memory_space<hbm>>
    %dma_wait3A_92 = arith.constant 0 : i32
    %dma_wait3A_93 = arith.constant 0 : i32
    %dma_wait3A_94 = arith.constant 0 : i32
    %dma_wait3A_95 = tpu.memref_slice %arg6[%dma_wait3A_92, %dma_wait3A_93, %dma_wait3A_94] : memref<3x128x128xf32, #tpu.memory_space<vmem>> -> memref<2x128x128xf32, #tpu.memory_space<vmem>>
    %dma_wait3A_96 = arith.constant 0 : i32
    %dma_wait3A_97 = arith.constant 0 : i32
    %dma_wait3A_98 = tpu.memref_slice %arg2[%select_n3A, %dma_wait3A_96, %dma_wait3A_97] : memref<80x128x128xf32, #tpu.memory_space<hbm>> -> memref<2x128x128xf32, #tpu.memory_space<hbm>>
    tpu.wait_dma2 semaphore(%arg10 : memref<!tpu.dma_semaphore, #tpu.memory_space<semaphore_mem>>) src(%dma_wait3A_98 : memref<2x128x128xf32, #tpu.memory_space<hbm>>) dst(%dma_wait3A_95 : memref<2x128x128xf32, #tpu.memory_space<vmem>>)
    %convert_element_type3A_99 = arith.extui %eq3A_48 : i1 to i32
    %cond3A_100 = arith.constant 2 : i32
    %cond3A_101 = arith.constant 0 : i32
    %cond3A_102 = arith.cmpi ne, %convert_element_type3A_99, %cond3A_101 : i32
    scf.if %cond3A_102 {
      %dma_wait3A_123 = arith.constant 0 : i32
      %dma_wait3A_124 = arith.constant 0 : i32
      %dma_wait3A_125 = tpu.memref_slice %arg6[%cond3A_100, %dma_wait3A_123, %dma_wait3A_124] : memref<3x128x128xf32, #tpu.memory_space<vmem>> -> memref<1x128x128xf32, #tpu.memory_space<vmem>>
      %dma_wait3A_126 = tpu.memref_squeeze %dma_wait3A_125 : memref<1x128x128xf32, #tpu.memory_space<vmem>> -> memref<128x128xf32, #tpu.memory_space<vmem>>
      %dma_wait3A_127 = arith.constant 0 : i32
      %dma_wait3A_128 = arith.constant 0 : i32
      %dma_wait3A_129 = tpu.memref_slice %arg2[%add3A_63, %dma_wait3A_127, %dma_wait3A_128] : memref<80x128x128xf32, #tpu.memory_space<hbm>> -> memref<1x128x128xf32, #tpu.memory_space<hbm>>
      %dma_wait3A_130 = tpu.memref_squeeze %dma_wait3A_129 : memref<1x128x128xf32, #tpu.memory_space<hbm>> -> memref<128x128xf32, #tpu.memory_space<hbm>>
      %dma_wait3A_131 = arith.constant 0 : i32
      %dma_wait3A_132 = arith.constant 0 : i32
      %dma_wait3A_133 = tpu.memref_slice %arg6[%cond3A_100, %dma_wait3A_131, %dma_wait3A_132] : memref<3x128x128xf32, #tpu.memory_space<vmem>> -> memref<1x128x128xf32, #tpu.memory_space<vmem>>
      %dma_wait3A_134 = tpu.memref_squeeze %dma_wait3A_133 : memref<1x128x128xf32, #tpu.memory_space<vmem>> -> memref<128x128xf32, #tpu.memory_space<vmem>>
      %dma_wait3A_135 = arith.constant 0 : i32
      %dma_wait3A_136 = arith.constant 0 : i32
      %dma_wait3A_137 = tpu.memref_slice %arg2[%add3A_63, %dma_wait3A_135, %dma_wait3A_136] : memref<80x128x128xf32, #tpu.memory_space<hbm>> -> memref<1x128x128xf32, #tpu.memory_space<hbm>>
      %dma_wait3A_138 = tpu.memref_squeeze %dma_wait3A_137 : memref<1x128x128xf32, #tpu.memory_space<hbm>> -> memref<128x128xf32, #tpu.memory_space<hbm>>
      tpu.wait_dma2 semaphore(%arg11 : memref<!tpu.dma_semaphore, #tpu.memory_space<semaphore_mem>>) src(%dma_wait3A_138 : memref<128x128xf32, #tpu.memory_space<hbm>>) dst(%dma_wait3A_134 : memref<128x128xf32, #tpu.memory_space<vmem>>)
    } else {
    }
    %while3A = arith.constant 0 : i32
    %while3A_103 = arith.constant 0 : i32
    %while3A_104 = arith.subi %sub3A_81, %while3A_103 : i32
    %while3A_105 = arith.addi %while3A_103, %while3A_104 : i32
    %while3A_106 = arith.constant 1 : i32
    %while3A_107 = arith.divsi %while3A_104, %while3A_106 : i32
    %while3A_108 = arith.muli %while3A_107, %while3A_106 : i32
    %while3A_109 = arith.addi %while3A_103, %while3A_108 : i32
    %while3A_110 = arith.constant 1 : i32
    scf.for %while3A_123 = %while3A_103 to %while3A_109 step %while3A_110  : i32 {
      %add3A_124 = vector.broadcast %while3A_123 : i32 to vector<16xi32>
      %add3A_125 = arith.addi %broadcast_in_dim3A_75, %add3A_124 : vector<16xi32>
      %lt3A = arith.constant 0 : i32
      %lt3A_126 = vector.broadcast %lt3A : i32 to vector<16xi32>
      %lt3A_127 = arith.cmpi slt, %add3A_125, %lt3A_126 : vector<16xi32>
      %add3A_128 = arith.constant 16 : i32
      %add3A_129 = vector.broadcast %add3A_128 : i32 to vector<16xi32>
      %add3A_130 = arith.addi %add3A_125, %add3A_129 : vector<16xi32>
      %select_n3A_131 = arith.select %lt3A_127, %add3A_130, %add3A_125 : vector<16xi1>, vector<16xi32>
      %broadcast_in_dim3A_132 = vector.shape_cast %select_n3A_131 : vector<16xi32> to vector<16x1xi32>
      %gather3A = vector.shape_cast %broadcast_in_dim3A_132 : vector<16x1xi32> to vector<16xi32>
      %gather3A_133 = tpu.dynamic_gather %scan3A_79[%gather3A] in [0] : vector<16xi32>, vector<16xi32> -> vector<16xi32>
      %slice3A = vector.extract_strided_slice %gather3A_133 {offsets = [0], sizes = [1], strides = [1]} : vector<16xi32> to vector<1xi32>
      %squeeze3A = vector.extract %slice3A[0] : i32 from vector<1xi32>
      %while3A_134 = arith.constant 0 : i32
      %while3A_135 = arith.constant 0 : i32
      %while3A_136 = arith.subi %squeeze3A, %while3A_135 : i32
      %while3A_137 = arith.addi %while3A_135, %while3A_136 : i32
      %while3A_138 = arith.constant 1 : i32
      %while3A_139 = arith.divsi %while3A_136, %while3A_138 : i32
      %while3A_140 = arith.muli %while3A_139, %while3A_138 : i32
      %while3A_141 = arith.addi %while3A_135, %while3A_140 : i32
      %while3A_142 = arith.constant 1 : i32
      scf.for %while3A_161 = %while3A_135 to %while3A_141 step %while3A_142  : i32 {
        %get3A = arith.index_cast %while3A_123 : i32 to index
        %get3A_162 = arith.index_cast %while3A_161 : i32 to index
        %get3A_163 = tpu.vector_load %arg9[%get3A, %get3A_162] {strides = array<i32>} : memref<3x1040xi32, #tpu.memory_space<vmem>>, vector<16xi32>,
        %slice3A_164 = vector.extract_strided_slice %get3A_163 {offsets = [0], sizes = [1], strides = [1]} : vector<16xi32> to vector<1xi32>
        %squeeze3A_165 = vector.extract %slice3A_164[0] : i32 from vector<1xi32>
        %mul3A_166 = arith.constant 4 : i32
        %mul3A_167 = arith.muli %mul3A_166, %squeeze3A_165 : i32
        %get3A_168 = arith.index_cast %mul3A_167 : i32 to index
        %get3A_169 = tpu.vector_load %arg7[%get3A_168] {strides = array<i32>} : memref<4096xi32, #tpu.memory_space<vmem>>, vector<16xi32>,
        %slice3A_170 = vector.extract_strided_slice %get3A_169 {offsets = [0], sizes = [1], strides = [1]} : vector<16xi32> to vector<1xi32>
        %squeeze3A_171 = vector.extract %slice3A_170[0] : i32 from vector<1xi32>
        %slice3A_172 = vector.extract_strided_slice %get3A_169 {offsets = [2], sizes = [1], strides = [1]} : vector<16xi32> to vector<1xi32>
        %squeeze3A_173 = vector.extract %slice3A_172[0] : i32 from vector<1xi32>
        %add3A_174 = arith.addi %squeeze3A_171, %squeeze3A_173 : i32
        %jit3A_175 = arith.constant 2 : i32
        %div3A_176 = arith.divsi %add3A_174, %jit3A_175 : i32
        %sign3A_177 = arith.constant 0 : i32
        %sign3A_178 = arith.cmpi sgt, %add3A_174, %sign3A_177 : i32
        %sign3A_179 = arith.extui %sign3A_178 : i1 to i32
        %sign3A_180 = arith.constant 0 : i32
        %sign3A_181 = arith.cmpi slt, %add3A_174, %sign3A_180 : i32
        %sign3A_182 = arith.extui %sign3A_181 : i1 to i32
        %sign3A_183 = arith.subi %sign3A_179, %sign3A_182 : i32
        %sign3A_184 = arith.constant 0 : i32
        %sign3A_185 = arith.cmpi sgt, %jit3A_175, %sign3A_184 : i32
        %sign3A_186 = arith.extui %sign3A_185 : i1 to i32
        %sign3A_187 = arith.constant 0 : i32
        %sign3A_188 = arith.cmpi slt, %jit3A_175, %sign3A_187 : i32
        %sign3A_189 = arith.extui %sign3A_188 : i1 to i32
        %sign3A_190 = arith.subi %sign3A_186, %sign3A_189 : i32
        %ne3A_191 = arith.cmpi ne, %sign3A_183, %sign3A_190 : i32
        %rem3A_192 = arith.remsi %add3A_174, %jit3A_175 : i32
        %ne3A_193 = arith.constant 0 : i32
        %ne3A_194 = arith.cmpi ne, %rem3A_192, %ne3A_193 : i32
        %and3A_195 = arith.andi %ne3A_191, %ne3A_194 : i1
        %sub3A_196 = arith.constant 1 : i32
        %sub3A_197 = arith.subi %div3A_176, %sub3A_196 : i32
        %select_n3A_198 = arith.select %and3A_195, %sub3A_197, %div3A_176 : i32
        %slice3A_199 = vector.extract_strided_slice %get3A_169 {offsets = [1], sizes = [1], strides = [1]} : vector<16xi32> to vector<1xi32>
        %squeeze3A_200 = vector.extract %slice3A_199[0] : i32 from vector<1xi32>
        %slice3A_201 = vector.extract_strided_slice %get3A_169 {offsets = [3], sizes = [1], strides = [1]} : vector<16xi32> to vector<1xi32>
        %squeeze3A_202 = vector.extract %slice3A_201[0] : i32 from vector<1xi32>
        %add3A_203 = arith.addi %squeeze3A_200, %squeeze3A_202 : i32
        %jit3A_204 = arith.constant 2 : i32
        %div3A_205 = arith.divsi %add3A_203, %jit3A_204 : i32
        %sign3A_206 = arith.constant 0 : i32
        %sign3A_207 = arith.cmpi sgt, %add3A_203, %sign3A_206 : i32
        %sign3A_208 = arith.extui %sign3A_207 : i1 to i32
        %sign3A_209 = arith.constant 0 : i32
        %sign3A_210 = arith.cmpi slt, %add3A_203, %sign3A_209 : i32
        %sign3A_211 = arith.extui %sign3A_210 : i1 to i32
        %sign3A_212 = arith.subi %sign3A_208, %sign3A_211 : i32
        %sign3A_213 = arith.constant 0 : i32
        %sign3A_214 = arith.cmpi sgt, %jit3A_204, %sign3A_213 : i32
        %sign3A_215 = arith.extui %sign3A_214 : i1 to i32
        %sign3A_216 = arith.constant 0 : i32
        %sign3A_217 = arith.cmpi slt, %jit3A_204, %sign3A_216 : i32
        %sign3A_218 = arith.extui %sign3A_217 : i1 to i32
        %sign3A_219 = arith.subi %sign3A_215, %sign3A_218 : i32
        %ne3A_220 = arith.cmpi ne, %sign3A_212, %sign3A_219 : i32
        %rem3A_221 = arith.remsi %add3A_203, %jit3A_204 : i32
        %ne3A_222 = arith.constant 0 : i32
        %ne3A_223 = arith.cmpi ne, %rem3A_221, %ne3A_222 : i32
        %and3A_224 = arith.andi %ne3A_220, %ne3A_223 : i1
        %sub3A_225 = arith.constant 1 : i32
        %sub3A_226 = arith.subi %div3A_205, %sub3A_225 : i32
        %select_n3A_227 = arith.select %and3A_224, %sub3A_226, %div3A_205 : i32
        %sub3A_228 = arith.constant 4 : i32
        %sub3A_229 = arith.subi %select_n3A_227, %sub3A_228 : i32
        %jit3A_230 = arith.constant 0 : i32
        %jit3A_231 = arith.constant 112 : i32
        %max3A = arith.maxsi %jit3A_230, %sub3A_229 : i32
        %min3A = arith.minsi %jit3A_231, %max3A : i32
        %sub3A_232 = arith.subi %min3A, %select_n3A_227 : i32
        %add3A_233 = vector.broadcast %sub3A_232 : i32 to vector<16xi32>
        %add3A_234 = arith.addi %iota3A, %add3A_233 : vector<16xi32>
        %convert_element_type3A_235 = arith.sitofp %add3A_234 : vector<16xi32> to vector<16xf32>
        %mul3A_236 = arith.mulf %convert_element_type3A_235, %convert_element_type3A_235 : vector<16xf32>
        %neg3A = arith.constant 0.000000e+00 : f32
        %neg3A_237 = vector.broadcast %neg3A : f32 to vector<16xf32>
        %neg3A_238 = arith.subf %neg3A_237, %mul3A_236 : vector<16xf32>
        %exp3A = math.exp %neg3A_238 : vector<16xf32>
        %add3A_239 = arith.constant -4 : i32
        %add3A_240 = arith.addi %select_n3A_198, %add3A_239 : i32
        %jit3A_241 = arith.constant 0 : i32
        %jit3A_242 = arith.constant 127 : i32
        %max3A_243 = arith.maxsi %jit3A_241, %add3A_240 : i32
        %min3A_244 = arith.minsi %jit3A_242, %max3A_243 : i32
        %mul3A_245 = arith.constant 1.12535176E-7 : f32
        %mul3A_246 = vector.broadcast %mul3A_245 : f32 to vector<16xf32>
        %mul3A_247 = arith.mulf %mul3A_246, %exp3A : vector<16xf32>
        %get3A_248 = arith.index_cast %while3A_123 : i32 to index
        %get3A_249 = arith.index_cast %min3A_244 : i32 to index
        %get3A_250 = arith.index_cast %min3A : i32 to index
        %get3A_251 = tpu.vector_load %arg6[%get3A_248, %get3A_249, %get3A_250] {strides = array<i32>} : memref<3x128x128xf32, #tpu.memory_space<vmem>>, vector<16xf32>,
        %max3A_252 = arith.maximumf %get3A_251, %mul3A_247 : vector<16xf32>
        %swap3A_253 = arith.index_cast %while3A_123 : i32 to index
        %swap3A_254 = arith.index_cast %min3A_244 : i32 to index
        %swap3A_255 = arith.index_cast %min3A : i32 to index
        %swap3A_256 = tpu.vector_load %arg6[%swap3A_253, %swap3A_254, %swap3A_255] {strides = array<i32>} : memref<3x128x128xf32, #tpu.memory_space<vmem>>, vector<16xf32>,
        tpu.vector_store %arg6[%swap3A_253, %swap3A_254, %swap3A_255], %max3A_252 {strides = array<i32>} : memref<3x128x128xf32, #tpu.memory_space<vmem>>, vector<16xf32>,
        %add3A_257 = arith.constant -3 : i32
        %add3A_258 = arith.addi %select_n3A_198, %add3A_257 : i32
        %jit3A_259 = arith.constant 0 : i32
        %jit3A_260 = arith.constant 127 : i32
        %max3A_261 = arith.maxsi %jit3A_259, %add3A_258 : i32
        %min3A_262 = arith.minsi %jit3A_260, %max3A_261 : i32
        %mul3A_263 = arith.constant 1.23409802E-4 : f32
        %mul3A_264 = vector.broadcast %mul3A_263 : f32 to vector<16xf32>
        %mul3A_265 = arith.mulf %mul3A_264, %exp3A : vector<16xf32>
        %get3A_266 = arith.index_cast %while3A_123 : i32 to index
        %get3A_267 = arith.index_cast %min3A_262 : i32 to index
        %get3A_268 = arith.index_cast %min3A : i32 to index
        %get3A_269 = tpu.vector_load %arg6[%get3A_266, %get3A_267, %get3A_268] {strides = array<i32>} : memref<3x128x128xf32, #tpu.memory_space<vmem>>, vector<16xf32>,
        %max3A_270 = arith.maximumf %get3A_269, %mul3A_265 : vector<16xf32>
        %swap3A_271 = arith.index_cast %while3A_123 : i32 to index
        %swap3A_272 = arith.index_cast %min3A_262 : i32 to index
        %swap3A_273 = arith.index_cast %min3A : i32 to index
        %swap3A_274 = tpu.vector_load %arg6[%swap3A_271, %swap3A_272, %swap3A_273] {strides = array<i32>} : memref<3x128x128xf32, #tpu.memory_space<vmem>>, vector<16xf32>,
        tpu.vector_store %arg6[%swap3A_271, %swap3A_272, %swap3A_273], %max3A_270 {strides = array<i32>} : memref<3x128x128xf32, #tpu.memory_space<vmem>>, vector<16xf32>,
        %add3A_275 = arith.constant -2 : i32
        %add3A_276 = arith.addi %select_n3A_198, %add3A_275 : i32
        %jit3A_277 = arith.constant 0 : i32
        %jit3A_278 = arith.constant 127 : i32
        %max3A_279 = arith.maxsi %jit3A_277, %add3A_276 : i32
        %min3A_280 = arith.minsi %jit3A_278, %max3A_279 : i32
        %mul3A_281 = arith.constant 0.0183156393 : f32
        %mul3A_282 = vector.broadcast %mul3A_281 : f32 to vector<16xf32>
        %mul3A_283 = arith.mulf %mul3A_282, %exp3A : vector<16xf32>
        %get3A_284 = arith.index_cast %while3A_123 : i32 to index
        %get3A_285 = arith.index_cast %min3A_280 : i32 to index
        %get3A_286 = arith.index_cast %min3A : i32 to index
        %get3A_287 = tpu.vector_load %arg6[%get3A_284, %get3A_285, %get3A_286] {strides = array<i32>} : memref<3x128x128xf32, #tpu.memory_space<vmem>>, vector<16xf32>,
        %max3A_288 = arith.maximumf %get3A_287, %mul3A_283 : vector<16xf32>
        %swap3A_289 = arith.index_cast %while3A_123 : i32 to index
        %swap3A_290 = arith.index_cast %min3A_280 : i32 to index
        %swap3A_291 = arith.index_cast %min3A : i32 to index
        %swap3A_292 = tpu.vector_load %arg6[%swap3A_289, %swap3A_290, %swap3A_291] {strides = array<i32>} : memref<3x128x128xf32, #tpu.memory_space<vmem>>, vector<16xf32>,
        tpu.vector_store %arg6[%swap3A_289, %swap3A_290, %swap3A_291], %max3A_288 {strides = array<i32>} : memref<3x128x128xf32, #tpu.memory_space<vmem>>, vector<16xf32>,
        %add3A_293 = arith.constant -1 : i32
        %add3A_294 = arith.addi %select_n3A_198, %add3A_293 : i32
        %jit3A_295 = arith.constant 0 : i32
        %jit3A_296 = arith.constant 127 : i32
        %max3A_297 = arith.maxsi %jit3A_295, %add3A_294 : i32
        %min3A_298 = arith.minsi %jit3A_296, %max3A_297 : i32
        %mul3A_299 = arith.constant 0.36787945 : f32
        %mul3A_300 = vector.broadcast %mul3A_299 : f32 to vector<16xf32>
        %mul3A_301 = arith.mulf %mul3A_300, %exp3A : vector<16xf32>
        %get3A_302 = arith.index_cast %while3A_123 : i32 to index
        %get3A_303 = arith.index_cast %min3A_298 : i32 to index
        %get3A_304 = arith.index_cast %min3A : i32 to index
        %get3A_305 = tpu.vector_load %arg6[%get3A_302, %get3A_303, %get3A_304] {strides = array<i32>} : memref<3x128x128xf32, #tpu.memory_space<vmem>>, vector<16xf32>,
        %max3A_306 = arith.maximumf %get3A_305, %mul3A_301 : vector<16xf32>
        %swap3A_307 = arith.index_cast %while3A_123 : i32 to index
        %swap3A_308 = arith.index_cast %min3A_298 : i32 to index
        %swap3A_309 = arith.index_cast %min3A : i32 to index
        %swap3A_310 = tpu.vector_load %arg6[%swap3A_307, %swap3A_308, %swap3A_309] {strides = array<i32>} : memref<3x128x128xf32, #tpu.memory_space<vmem>>, vector<16xf32>,
        tpu.vector_store %arg6[%swap3A_307, %swap3A_308, %swap3A_309], %max3A_306 {strides = array<i32>} : memref<3x128x128xf32, #tpu.memory_space<vmem>>, vector<16xf32>,
        %add3A_311 = arith.constant 0 : i32
        %add3A_312 = arith.addi %select_n3A_198, %add3A_311 : i32
        %jit3A_313 = arith.constant 0 : i32
        %jit3A_314 = arith.constant 127 : i32
        %max3A_315 = arith.maxsi %jit3A_313, %add3A_312 : i32
        %min3A_316 = arith.minsi %jit3A_314, %max3A_315 : i32
        %get3A_317 = arith.index_cast %while3A_123 : i32 to index
        %get3A_318 = arith.index_cast %min3A_316 : i32 to index
        %get3A_319 = arith.index_cast %min3A : i32 to index
        %get3A_320 = tpu.vector_load %arg6[%get3A_317, %get3A_318, %get3A_319] {strides = array<i32>} : memref<3x128x128xf32, #tpu.memory_space<vmem>>, vector<16xf32>,
        %max3A_321 = arith.maximumf %get3A_320, %exp3A : vector<16xf32>
        %swap3A_322 = arith.index_cast %while3A_123 : i32 to index
        %swap3A_323 = arith.index_cast %min3A_316 : i32 to index
        %swap3A_324 = arith.index_cast %min3A : i32 to index
        %swap3A_325 = tpu.vector_load %arg6[%swap3A_322, %swap3A_323, %swap3A_324] {strides = array<i32>} : memref<3x128x128xf32, #tpu.memory_space<vmem>>, vector<16xf32>,
        tpu.vector_store %arg6[%swap3A_322, %swap3A_323, %swap3A_324], %max3A_321 {strides = array<i32>} : memref<3x128x128xf32, #tpu.memory_space<vmem>>, vector<16xf32>,
        %add3A_326 = arith.constant 1 : i32
        %add3A_327 = arith.addi %select_n3A_198, %add3A_326 : i32
        %jit3A_328 = arith.constant 0 : i32
        %jit3A_329 = arith.constant 127 : i32
        %max3A_330 = arith.maxsi %jit3A_328, %add3A_327 : i32
        %min3A_331 = arith.minsi %jit3A_329, %max3A_330 : i32
        %mul3A_332 = arith.constant 0.36787945 : f32
        %mul3A_333 = vector.broadcast %mul3A_332 : f32 to vector<16xf32>
        %mul3A_334 = arith.mulf %mul3A_333, %exp3A : vector<16xf32>
        %get3A_335 = arith.index_cast %while3A_123 : i32 to index
        %get3A_336 = arith.index_cast %min3A_331 : i32 to index
        %get3A_337 = arith.index_cast %min3A : i32 to index
        %get3A_338 = tpu.vector_load %arg6[%get3A_335, %get3A_336, %get3A_337] {strides = array<i32>} : memref<3x128x128xf32, #tpu.memory_space<vmem>>, vector<16xf32>,
        %max3A_339 = arith.maximumf %get3A_338, %mul3A_334 : vector<16xf32>
        %swap3A_340 = arith.index_cast %while3A_123 : i32 to index
        %swap3A_341 = arith.index_cast %min3A_331 : i32 to index
        %swap3A_342 = arith.index_cast %min3A : i32 to index
        %swap3A_343 = tpu.vector_load %arg6[%swap3A_340, %swap3A_341, %swap3A_342] {strides = array<i32>} : memref<3x128x128xf32, #tpu.memory_space<vmem>>, vector<16xf32>,
        tpu.vector_store %arg6[%swap3A_340, %swap3A_341, %swap3A_342], %max3A_339 {strides = array<i32>} : memref<3x128x128xf32, #tpu.memory_space<vmem>>, vector<16xf32>,
        %add3A_344 = arith.constant 2 : i32
        %add3A_345 = arith.addi %select_n3A_198, %add3A_344 : i32
        %jit3A_346 = arith.constant 0 : i32
        %jit3A_347 = arith.constant 127 : i32
        %max3A_348 = arith.maxsi %jit3A_346, %add3A_345 : i32
        %min3A_349 = arith.minsi %jit3A_347, %max3A_348 : i32
        %mul3A_350 = arith.constant 0.0183156393 : f32
        %mul3A_351 = vector.broadcast %mul3A_350 : f32 to vector<16xf32>
        %mul3A_352 = arith.mulf %mul3A_351, %exp3A : vector<16xf32>
        %get3A_353 = arith.index_cast %while3A_123 : i32 to index
        %get3A_354 = arith.index_cast %min3A_349 : i32 to index
        %get3A_355 = arith.index_cast %min3A : i32 to index
        %get3A_356 = tpu.vector_load %arg6[%get3A_353, %get3A_354, %get3A_355] {strides = array<i32>} : memref<3x128x128xf32, #tpu.memory_space<vmem>>, vector<16xf32>,
        %max3A_357 = arith.maximumf %get3A_356, %mul3A_352 : vector<16xf32>
        %swap3A_358 = arith.index_cast %while3A_123 : i32 to index
        %swap3A_359 = arith.index_cast %min3A_349 : i32 to index
        %swap3A_360 = arith.index_cast %min3A : i32 to index
        %swap3A_361 = tpu.vector_load %arg6[%swap3A_358, %swap3A_359, %swap3A_360] {strides = array<i32>} : memref<3x128x128xf32, #tpu.memory_space<vmem>>, vector<16xf32>,
        tpu.vector_store %arg6[%swap3A_358, %swap3A_359, %swap3A_360], %max3A_357 {strides = array<i32>} : memref<3x128x128xf32, #tpu.memory_space<vmem>>, vector<16xf32>,
        %add3A_362 = arith.constant 3 : i32
        %add3A_363 = arith.addi %select_n3A_198, %add3A_362 : i32
        %jit3A_364 = arith.constant 0 : i32
        %jit3A_365 = arith.constant 127 : i32
        %max3A_366 = arith.maxsi %jit3A_364, %add3A_363 : i32
        %min3A_367 = arith.minsi %jit3A_365, %max3A_366 : i32
        %mul3A_368 = arith.constant 1.23409802E-4 : f32
        %mul3A_369 = vector.broadcast %mul3A_368 : f32 to vector<16xf32>
        %mul3A_370 = arith.mulf %mul3A_369, %exp3A : vector<16xf32>
        %get3A_371 = arith.index_cast %while3A_123 : i32 to index
        %get3A_372 = arith.index_cast %min3A_367 : i32 to index
        %get3A_373 = arith.index_cast %min3A : i32 to index
        %get3A_374 = tpu.vector_load %arg6[%get3A_371, %get3A_372, %get3A_373] {strides = array<i32>} : memref<3x128x128xf32, #tpu.memory_space<vmem>>, vector<16xf32>,
        %max3A_375 = arith.maximumf %get3A_374, %mul3A_370 : vector<16xf32>
        %swap3A_376 = arith.index_cast %while3A_123 : i32 to index
        %swap3A_377 = arith.index_cast %min3A_367 : i32 to index
        %swap3A_378 = arith.index_cast %min3A : i32 to index
        %swap3A_379 = tpu.vector_load %arg6[%swap3A_376, %swap3A_377, %swap3A_378] {strides = array<i32>} : memref<3x128x128xf32, #tpu.memory_space<vmem>>, vector<16xf32>,
        tpu.vector_store %arg6[%swap3A_376, %swap3A_377, %swap3A_378], %max3A_375 {strides = array<i32>} : memref<3x128x128xf32, #tpu.memory_space<vmem>>, vector<16xf32>,
        %add3A_380 = arith.constant 4 : i32
        %add3A_381 = arith.addi %select_n3A_198, %add3A_380 : i32
        %jit3A_382 = arith.constant 0 : i32
        %jit3A_383 = arith.constant 127 : i32
        %max3A_384 = arith.maxsi %jit3A_382, %add3A_381 : i32
        %min3A_385 = arith.minsi %jit3A_383, %max3A_384 : i32
        %mul3A_386 = arith.constant 1.12535176E-7 : f32
        %mul3A_387 = vector.broadcast %mul3A_386 : f32 to vector<16xf32>
        %mul3A_388 = arith.mulf %mul3A_387, %exp3A : vector<16xf32>
        %get3A_389 = arith.index_cast %while3A_123 : i32 to index
        %get3A_390 = arith.index_cast %min3A_385 : i32 to index
        %get3A_391 = arith.index_cast %min3A : i32 to index
        %get3A_392 = tpu.vector_load %arg6[%get3A_389, %get3A_390, %get3A_391] {strides = array<i32>} : memref<3x128x128xf32, #tpu.memory_space<vmem>>, vector<16xf32>,
        %max3A_393 = arith.maximumf %get3A_392, %mul3A_388 : vector<16xf32>
        %swap3A_394 = arith.index_cast %while3A_123 : i32 to index
        %swap3A_395 = arith.index_cast %min3A_385 : i32 to index
        %swap3A_396 = arith.index_cast %min3A : i32 to index
        %swap3A_397 = tpu.vector_load %arg6[%swap3A_394, %swap3A_395, %swap3A_396] {strides = array<i32>} : memref<3x128x128xf32, #tpu.memory_space<vmem>>, vector<16xf32>,
        tpu.vector_store %arg6[%swap3A_394, %swap3A_395, %swap3A_396], %max3A_393 {strides = array<i32>} : memref<3x128x128xf32, #tpu.memory_space<vmem>>, vector<16xf32>,
      }
      %while3A_143 = arith.constant 1 : i32
      scf.for %while3A_161 = %while3A_141 to %while3A_137 step %while3A_143  : i32 {
        %get3A = arith.index_cast %while3A_123 : i32 to index
        %get3A_162 = arith.index_cast %while3A_161 : i32 to index
        %get3A_163 = tpu.vector_load %arg9[%get3A, %get3A_162] {strides = array<i32>} : memref<3x1040xi32, #tpu.memory_space<vmem>>, vector<16xi32>,
        %slice3A_164 = vector.extract_strided_slice %get3A_163 {offsets = [0], sizes = [1], strides = [1]} : vector<16xi32> to vector<1xi32>
        %squeeze3A_165 = vector.extract %slice3A_164[0] : i32 from vector<1xi32>
        %mul3A_166 = arith.constant 4 : i32
        %mul3A_167 = arith.muli %mul3A_166, %squeeze3A_165 : i32
        %get3A_168 = arith.index_cast %mul3A_167 : i32 to index
        %get3A_169 = tpu.vector_load %arg7[%get3A_168] {strides = array<i32>} : memref<4096xi32, #tpu.memory_space<vmem>>, vector<16xi32>,
        %slice3A_170 = vector.extract_strided_slice %get3A_169 {offsets = [0], sizes = [1], strides = [1]} : vector<16xi32> to vector<1xi32>
        %squeeze3A_171 = vector.extract %slice3A_170[0] : i32 from vector<1xi32>
        %slice3A_172 = vector.extract_strided_slice %get3A_169 {offsets = [2], sizes = [1], strides = [1]} : vector<16xi32> to vector<1xi32>
        %squeeze3A_173 = vector.extract %slice3A_172[0] : i32 from vector<1xi32>
        %add3A_174 = arith.addi %squeeze3A_171, %squeeze3A_173 : i32
        %jit3A_175 = arith.constant 2 : i32
        %div3A_176 = arith.divsi %add3A_174, %jit3A_175 : i32
        %sign3A_177 = arith.constant 0 : i32
        %sign3A_178 = arith.cmpi sgt, %add3A_174, %sign3A_177 : i32
        %sign3A_179 = arith.extui %sign3A_178 : i1 to i32
        %sign3A_180 = arith.constant 0 : i32
        %sign3A_181 = arith.cmpi slt, %add3A_174, %sign3A_180 : i32
        %sign3A_182 = arith.extui %sign3A_181 : i1 to i32
        %sign3A_183 = arith.subi %sign3A_179, %sign3A_182 : i32
        %sign3A_184 = arith.constant 0 : i32
        %sign3A_185 = arith.cmpi sgt, %jit3A_175, %sign3A_184 : i32
        %sign3A_186 = arith.extui %sign3A_185 : i1 to i32
        %sign3A_187 = arith.constant 0 : i32
        %sign3A_188 = arith.cmpi slt, %jit3A_175, %sign3A_187 : i32
        %sign3A_189 = arith.extui %sign3A_188 : i1 to i32
        %sign3A_190 = arith.subi %sign3A_186, %sign3A_189 : i32
        %ne3A_191 = arith.cmpi ne, %sign3A_183, %sign3A_190 : i32
        %rem3A_192 = arith.remsi %add3A_174, %jit3A_175 : i32
        %ne3A_193 = arith.constant 0 : i32
        %ne3A_194 = arith.cmpi ne, %rem3A_192, %ne3A_193 : i32
        %and3A_195 = arith.andi %ne3A_191, %ne3A_194 : i1
        %sub3A_196 = arith.constant 1 : i32
        %sub3A_197 = arith.subi %div3A_176, %sub3A_196 : i32
        %select_n3A_198 = arith.select %and3A_195, %sub3A_197, %div3A_176 : i32
        %slice3A_199 = vector.extract_strided_slice %get3A_169 {offsets = [1], sizes = [1], strides = [1]} : vector<16xi32> to vector<1xi32>
        %squeeze3A_200 = vector.extract %slice3A_199[0] : i32 from vector<1xi32>
        %slice3A_201 = vector.extract_strided_slice %get3A_169 {offsets = [3], sizes = [1], strides = [1]} : vector<16xi32> to vector<1xi32>
        %squeeze3A_202 = vector.extract %slice3A_201[0] : i32 from vector<1xi32>
        %add3A_203 = arith.addi %squeeze3A_200, %squeeze3A_202 : i32
        %jit3A_204 = arith.constant 2 : i32
        %div3A_205 = arith.divsi %add3A_203, %jit3A_204 : i32
        %sign3A_206 = arith.constant 0 : i32
        %sign3A_207 = arith.cmpi sgt, %add3A_203, %sign3A_206 : i32
        %sign3A_208 = arith.extui %sign3A_207 : i1 to i32
        %sign3A_209 = arith.constant 0 : i32
        %sign3A_210 = arith.cmpi slt, %add3A_203, %sign3A_209 : i32
        %sign3A_211 = arith.extui %sign3A_210 : i1 to i32
        %sign3A_212 = arith.subi %sign3A_208, %sign3A_211 : i32
        %sign3A_213 = arith.constant 0 : i32
        %sign3A_214 = arith.cmpi sgt, %jit3A_204, %sign3A_213 : i32
        %sign3A_215 = arith.extui %sign3A_214 : i1 to i32
        %sign3A_216 = arith.constant 0 : i32
        %sign3A_217 = arith.cmpi slt, %jit3A_204, %sign3A_216 : i32
        %sign3A_218 = arith.extui %sign3A_217 : i1 to i32
        %sign3A_219 = arith.subi %sign3A_215, %sign3A_218 : i32
        %ne3A_220 = arith.cmpi ne, %sign3A_212, %sign3A_219 : i32
        %rem3A_221 = arith.remsi %add3A_203, %jit3A_204 : i32
        %ne3A_222 = arith.constant 0 : i32
        %ne3A_223 = arith.cmpi ne, %rem3A_221, %ne3A_222 : i32
        %and3A_224 = arith.andi %ne3A_220, %ne3A_223 : i1
        %sub3A_225 = arith.constant 1 : i32
        %sub3A_226 = arith.subi %div3A_205, %sub3A_225 : i32
        %select_n3A_227 = arith.select %and3A_224, %sub3A_226, %div3A_205 : i32
        %sub3A_228 = arith.constant 4 : i32
        %sub3A_229 = arith.subi %select_n3A_227, %sub3A_228 : i32
        %jit3A_230 = arith.constant 0 : i32
        %jit3A_231 = arith.constant 112 : i32
        %max3A = arith.maxsi %jit3A_230, %sub3A_229 : i32
        %min3A = arith.minsi %jit3A_231, %max3A : i32
        %sub3A_232 = arith.subi %min3A, %select_n3A_227 : i32
        %add3A_233 = vector.broadcast %sub3A_232 : i32 to vector<16xi32>
        %add3A_234 = arith.addi %iota3A, %add3A_233 : vector<16xi32>
        %convert_element_type3A_235 = arith.sitofp %add3A_234 : vector<16xi32> to vector<16xf32>
        %mul3A_236 = arith.mulf %convert_element_type3A_235, %convert_element_type3A_235 : vector<16xf32>
        %neg3A = arith.constant 0.000000e+00 : f32
        %neg3A_237 = vector.broadcast %neg3A : f32 to vector<16xf32>
        %neg3A_238 = arith.subf %neg3A_237, %mul3A_236 : vector<16xf32>
        %exp3A = math.exp %neg3A_238 : vector<16xf32>
        %add3A_239 = arith.constant -4 : i32
        %add3A_240 = arith.addi %select_n3A_198, %add3A_239 : i32
        %jit3A_241 = arith.constant 0 : i32
        %jit3A_242 = arith.constant 127 : i32
        %max3A_243 = arith.maxsi %jit3A_241, %add3A_240 : i32
        %min3A_244 = arith.minsi %jit3A_242, %max3A_243 : i32
        %mul3A_245 = arith.constant 1.12535176E-7 : f32
        %mul3A_246 = vector.broadcast %mul3A_245 : f32 to vector<16xf32>
        %mul3A_247 = arith.mulf %mul3A_246, %exp3A : vector<16xf32>
        %get3A_248 = arith.index_cast %while3A_123 : i32 to index
        %get3A_249 = arith.index_cast %min3A_244 : i32 to index
        %get3A_250 = arith.index_cast %min3A : i32 to index
        %get3A_251 = tpu.vector_load %arg6[%get3A_248, %get3A_249, %get3A_250] {strides = array<i32>} : memref<3x128x128xf32, #tpu.memory_space<vmem>>, vector<16xf32>,
        %max3A_252 = arith.maximumf %get3A_251, %mul3A_247 : vector<16xf32>
        %swap3A_253 = arith.index_cast %while3A_123 : i32 to index
        %swap3A_254 = arith.index_cast %min3A_244 : i32 to index
        %swap3A_255 = arith.index_cast %min3A : i32 to index
        %swap3A_256 = tpu.vector_load %arg6[%swap3A_253, %swap3A_254, %swap3A_255] {strides = array<i32>} : memref<3x128x128xf32, #tpu.memory_space<vmem>>, vector<16xf32>,
        tpu.vector_store %arg6[%swap3A_253, %swap3A_254, %swap3A_255], %max3A_252 {strides = array<i32>} : memref<3x128x128xf32, #tpu.memory_space<vmem>>, vector<16xf32>,
        %add3A_257 = arith.constant -3 : i32
        %add3A_258 = arith.addi %select_n3A_198, %add3A_257 : i32
        %jit3A_259 = arith.constant 0 : i32
        %jit3A_260 = arith.constant 127 : i32
        %max3A_261 = arith.maxsi %jit3A_259, %add3A_258 : i32
        %min3A_262 = arith.minsi %jit3A_260, %max3A_261 : i32
        %mul3A_263 = arith.constant 1.23409802E-4 : f32
        %mul3A_264 = vector.broadcast %mul3A_263 : f32 to vector<16xf32>
        %mul3A_265 = arith.mulf %mul3A_264, %exp3A : vector<16xf32>
        %get3A_266 = arith.index_cast %while3A_123 : i32 to index
        %get3A_267 = arith.index_cast %min3A_262 : i32 to index
        %get3A_268 = arith.index_cast %min3A : i32 to index
        %get3A_269 = tpu.vector_load %arg6[%get3A_266, %get3A_267, %get3A_268] {strides = array<i32>} : memref<3x128x128xf32, #tpu.memory_space<vmem>>, vector<16xf32>,
        %max3A_270 = arith.maximumf %get3A_269, %mul3A_265 : vector<16xf32>
        %swap3A_271 = arith.index_cast %while3A_123 : i32 to index
        %swap3A_272 = arith.index_cast %min3A_262 : i32 to index
        %swap3A_273 = arith.index_cast %min3A : i32 to index
        %swap3A_274 = tpu.vector_load %arg6[%swap3A_271, %swap3A_272, %swap3A_273] {strides = array<i32>} : memref<3x128x128xf32, #tpu.memory_space<vmem>>, vector<16xf32>,
        tpu.vector_store %arg6[%swap3A_271, %swap3A_272, %swap3A_273], %max3A_270 {strides = array<i32>} : memref<3x128x128xf32, #tpu.memory_space<vmem>>, vector<16xf32>,
        %add3A_275 = arith.constant -2 : i32
        %add3A_276 = arith.addi %select_n3A_198, %add3A_275 : i32
        %jit3A_277 = arith.constant 0 : i32
        %jit3A_278 = arith.constant 127 : i32
        %max3A_279 = arith.maxsi %jit3A_277, %add3A_276 : i32
        %min3A_280 = arith.minsi %jit3A_278, %max3A_279 : i32
        %mul3A_281 = arith.constant 0.0183156393 : f32
        %mul3A_282 = vector.broadcast %mul3A_281 : f32 to vector<16xf32>
        %mul3A_283 = arith.mulf %mul3A_282, %exp3A : vector<16xf32>
        %get3A_284 = arith.index_cast %while3A_123 : i32 to index
        %get3A_285 = arith.index_cast %min3A_280 : i32 to index
        %get3A_286 = arith.index_cast %min3A : i32 to index
        %get3A_287 = tpu.vector_load %arg6[%get3A_284, %get3A_285, %get3A_286] {strides = array<i32>} : memref<3x128x128xf32, #tpu.memory_space<vmem>>, vector<16xf32>,
        %max3A_288 = arith.maximumf %get3A_287, %mul3A_283 : vector<16xf32>
        %swap3A_289 = arith.index_cast %while3A_123 : i32 to index
        %swap3A_290 = arith.index_cast %min3A_280 : i32 to index
        %swap3A_291 = arith.index_cast %min3A : i32 to index
        %swap3A_292 = tpu.vector_load %arg6[%swap3A_289, %swap3A_290, %swap3A_291] {strides = array<i32>} : memref<3x128x128xf32, #tpu.memory_space<vmem>>, vector<16xf32>,
        tpu.vector_store %arg6[%swap3A_289, %swap3A_290, %swap3A_291], %max3A_288 {strides = array<i32>} : memref<3x128x128xf32, #tpu.memory_space<vmem>>, vector<16xf32>,
        %add3A_293 = arith.constant -1 : i32
        %add3A_294 = arith.addi %select_n3A_198, %add3A_293 : i32
        %jit3A_295 = arith.constant 0 : i32
        %jit3A_296 = arith.constant 127 : i32
        %max3A_297 = arith.maxsi %jit3A_295, %add3A_294 : i32
        %min3A_298 = arith.minsi %jit3A_296, %max3A_297 : i32
        %mul3A_299 = arith.constant 0.36787945 : f32
        %mul3A_300 = vector.broadcast %mul3A_299 : f32 to vector<16xf32>
        %mul3A_301 = arith.mulf %mul3A_300, %exp3A : vector<16xf32>
        %get3A_302 = arith.index_cast %while3A_123 : i32 to index
        %get3A_303 = arith.index_cast %min3A_298 : i32 to index
        %get3A_304 = arith.index_cast %min3A : i32 to index
        %get3A_305 = tpu.vector_load %arg6[%get3A_302, %get3A_303, %get3A_304] {strides = array<i32>} : memref<3x128x128xf32, #tpu.memory_space<vmem>>, vector<16xf32>,
        %max3A_306 = arith.maximumf %get3A_305, %mul3A_301 : vector<16xf32>
        %swap3A_307 = arith.index_cast %while3A_123 : i32 to index
        %swap3A_308 = arith.index_cast %min3A_298 : i32 to index
        %swap3A_309 = arith.index_cast %min3A : i32 to index
        %swap3A_310 = tpu.vector_load %arg6[%swap3A_307, %swap3A_308, %swap3A_309] {strides = array<i32>} : memref<3x128x128xf32, #tpu.memory_space<vmem>>, vector<16xf32>,
        tpu.vector_store %arg6[%swap3A_307, %swap3A_308, %swap3A_309], %max3A_306 {strides = array<i32>} : memref<3x128x128xf32, #tpu.memory_space<vmem>>, vector<16xf32>,
        %add3A_311 = arith.constant 0 : i32
        %add3A_312 = arith.addi %select_n3A_198, %add3A_311 : i32
        %jit3A_313 = arith.constant 0 : i32
        %jit3A_314 = arith.constant 127 : i32
        %max3A_315 = arith.maxsi %jit3A_313, %add3A_312 : i32
        %min3A_316 = arith.minsi %jit3A_314, %max3A_315 : i32
        %get3A_317 = arith.index_cast %while3A_123 : i32 to index
        %get3A_318 = arith.index_cast %min3A_316 : i32 to index
        %get3A_319 = arith.index_cast %min3A : i32 to index
        %get3A_320 = tpu.vector_load %arg6[%get3A_317, %get3A_318, %get3A_319] {strides = array<i32>} : memref<3x128x128xf32, #tpu.memory_space<vmem>>, vector<16xf32>,
        %max3A_321 = arith.maximumf %get3A_320, %exp3A : vector<16xf32>
        %swap3A_322 = arith.index_cast %while3A_123 : i32 to index
        %swap3A_323 = arith.index_cast %min3A_316 : i32 to index
        %swap3A_324 = arith.index_cast %min3A : i32 to index
        %swap3A_325 = tpu.vector_load %arg6[%swap3A_322, %swap3A_323, %swap3A_324] {strides = array<i32>} : memref<3x128x128xf32, #tpu.memory_space<vmem>>, vector<16xf32>,
        tpu.vector_store %arg6[%swap3A_322, %swap3A_323, %swap3A_324], %max3A_321 {strides = array<i32>} : memref<3x128x128xf32, #tpu.memory_space<vmem>>, vector<16xf32>,
        %add3A_326 = arith.constant 1 : i32
        %add3A_327 = arith.addi %select_n3A_198, %add3A_326 : i32
        %jit3A_328 = arith.constant 0 : i32
        %jit3A_329 = arith.constant 127 : i32
        %max3A_330 = arith.maxsi %jit3A_328, %add3A_327 : i32
        %min3A_331 = arith.minsi %jit3A_329, %max3A_330 : i32
        %mul3A_332 = arith.constant 0.36787945 : f32
        %mul3A_333 = vector.broadcast %mul3A_332 : f32 to vector<16xf32>
        %mul3A_334 = arith.mulf %mul3A_333, %exp3A : vector<16xf32>
        %get3A_335 = arith.index_cast %while3A_123 : i32 to index
        %get3A_336 = arith.index_cast %min3A_331 : i32 to index
        %get3A_337 = arith.index_cast %min3A : i32 to index
        %get3A_338 = tpu.vector_load %arg6[%get3A_335, %get3A_336, %get3A_337] {strides = array<i32>} : memref<3x128x128xf32, #tpu.memory_space<vmem>>, vector<16xf32>,
        %max3A_339 = arith.maximumf %get3A_338, %mul3A_334 : vector<16xf32>
        %swap3A_340 = arith.index_cast %while3A_123 : i32 to index
        %swap3A_341 = arith.index_cast %min3A_331 : i32 to index
        %swap3A_342 = arith.index_cast %min3A : i32 to index
        %swap3A_343 = tpu.vector_load %arg6[%swap3A_340, %swap3A_341, %swap3A_342] {strides = array<i32>} : memref<3x128x128xf32, #tpu.memory_space<vmem>>, vector<16xf32>,
        tpu.vector_store %arg6[%swap3A_340, %swap3A_341, %swap3A_342], %max3A_339 {strides = array<i32>} : memref<3x128x128xf32, #tpu.memory_space<vmem>>, vector<16xf32>,
        %add3A_344 = arith.constant 2 : i32
        %add3A_345 = arith.addi %select_n3A_198, %add3A_344 : i32
        %jit3A_346 = arith.constant 0 : i32
        %jit3A_347 = arith.constant 127 : i32
        %max3A_348 = arith.maxsi %jit3A_346, %add3A_345 : i32
        %min3A_349 = arith.minsi %jit3A_347, %max3A_348 : i32
        %mul3A_350 = arith.constant 0.0183156393 : f32
        %mul3A_351 = vector.broadcast %mul3A_350 : f32 to vector<16xf32>
        %mul3A_352 = arith.mulf %mul3A_351, %exp3A : vector<16xf32>
        %get3A_353 = arith.index_cast %while3A_123 : i32 to index
        %get3A_354 = arith.index_cast %min3A_349 : i32 to index
        %get3A_355 = arith.index_cast %min3A : i32 to index
        %get3A_356 = tpu.vector_load %arg6[%get3A_353, %get3A_354, %get3A_355] {strides = array<i32>} : memref<3x128x128xf32, #tpu.memory_space<vmem>>, vector<16xf32>,
        %max3A_357 = arith.maximumf %get3A_356, %mul3A_352 : vector<16xf32>
        %swap3A_358 = arith.index_cast %while3A_123 : i32 to index
        %swap3A_359 = arith.index_cast %min3A_349 : i32 to index
        %swap3A_360 = arith.index_cast %min3A : i32 to index
        %swap3A_361 = tpu.vector_load %arg6[%swap3A_358, %swap3A_359, %swap3A_360] {strides = array<i32>} : memref<3x128x128xf32, #tpu.memory_space<vmem>>, vector<16xf32>,
        tpu.vector_store %arg6[%swap3A_358, %swap3A_359, %swap3A_360], %max3A_357 {strides = array<i32>} : memref<3x128x128xf32, #tpu.memory_space<vmem>>, vector<16xf32>,
        %add3A_362 = arith.constant 3 : i32
        %add3A_363 = arith.addi %select_n3A_198, %add3A_362 : i32
        %jit3A_364 = arith.constant 0 : i32
        %jit3A_365 = arith.constant 127 : i32
        %max3A_366 = arith.maxsi %jit3A_364, %add3A_363 : i32
        %min3A_367 = arith.minsi %jit3A_365, %max3A_366 : i32
        %mul3A_368 = arith.constant 1.23409802E-4 : f32
        %mul3A_369 = vector.broadcast %mul3A_368 : f32 to vector<16xf32>
        %mul3A_370 = arith.mulf %mul3A_369, %exp3A : vector<16xf32>
        %get3A_371 = arith.index_cast %while3A_123 : i32 to index
        %get3A_372 = arith.index_cast %min3A_367 : i32 to index
        %get3A_373 = arith.index_cast %min3A : i32 to index
        %get3A_374 = tpu.vector_load %arg6[%get3A_371, %get3A_372, %get3A_373] {strides = array<i32>} : memref<3x128x128xf32, #tpu.memory_space<vmem>>, vector<16xf32>,
        %max3A_375 = arith.maximumf %get3A_374, %mul3A_370 : vector<16xf32>
        %swap3A_376 = arith.index_cast %while3A_123 : i32 to index
        %swap3A_377 = arith.index_cast %min3A_367 : i32 to index
        %swap3A_378 = arith.index_cast %min3A : i32 to index
        %swap3A_379 = tpu.vector_load %arg6[%swap3A_376, %swap3A_377, %swap3A_378] {strides = array<i32>} : memref<3x128x128xf32, #tpu.memory_space<vmem>>, vector<16xf32>,
        tpu.vector_store %arg6[%swap3A_376, %swap3A_377, %swap3A_378], %max3A_375 {strides = array<i32>} : memref<3x128x128xf32, #tpu.memory_space<vmem>>, vector<16xf32>,
        %add3A_380 = arith.constant 4 : i32
        %add3A_381 = arith.addi %select_n3A_198, %add3A_380 : i32
        %jit3A_382 = arith.constant 0 : i32
        %jit3A_383 = arith.constant 127 : i32
        %max3A_384 = arith.maxsi %jit3A_382, %add3A_381 : i32
        %min3A_385 = arith.minsi %jit3A_383, %max3A_384 : i32
        %mul3A_386 = arith.constant 1.12535176E-7 : f32
        %mul3A_387 = vector.broadcast %mul3A_386 : f32 to vector<16xf32>
        %mul3A_388 = arith.mulf %mul3A_387, %exp3A : vector<16xf32>
        %get3A_389 = arith.index_cast %while3A_123 : i32 to index
        %get3A_390 = arith.index_cast %min3A_385 : i32 to index
        %get3A_391 = arith.index_cast %min3A : i32 to index
        %get3A_392 = tpu.vector_load %arg6[%get3A_389, %get3A_390, %get3A_391] {strides = array<i32>} : memref<3x128x128xf32, #tpu.memory_space<vmem>>, vector<16xf32>,
        %max3A_393 = arith.maximumf %get3A_392, %mul3A_388 : vector<16xf32>
        %swap3A_394 = arith.index_cast %while3A_123 : i32 to index
        %swap3A_395 = arith.index_cast %min3A_385 : i32 to index
        %swap3A_396 = arith.index_cast %min3A : i32 to index
        %swap3A_397 = tpu.vector_load %arg6[%swap3A_394, %swap3A_395, %swap3A_396] {strides = array<i32>} : memref<3x128x128xf32, #tpu.memory_space<vmem>>, vector<16xf32>,
        tpu.vector_store %arg6[%swap3A_394, %swap3A_395, %swap3A_396], %max3A_393 {strides = array<i32>} : memref<3x128x128xf32, #tpu.memory_space<vmem>>, vector<16xf32>,
      }
      %add3A_144 = arith.addi %select_n3A, %while3A_123 : i32
      %dma_start3A_145 = arith.constant 0 : i32
      %dma_start3A_146 = arith.constant 0 : i32
      %dma_start3A_147 = tpu.memref_slice %arg6[%while3A_123, %dma_start3A_145, %dma_start3A_146] : memref<3x128x128xf32, #tpu.memory_space<vmem>> -> memref<1x128x128xf32, #tpu.memory_space<vmem>>
      %dma_start3A_148 = tpu.memref_squeeze %dma_start3A_147 : memref<1x128x128xf32, #tpu.memory_space<vmem>> -> memref<128x128xf32, #tpu.memory_space<vmem>>
      %dma_start3A_149 = arith.constant 0 : i32
      %dma_start3A_150 = arith.constant 0 : i32
      %dma_start3A_151 = tpu.memref_slice %arg5[%add3A_144, %dma_start3A_149, %dma_start3A_150] : memref<80x128x128xf32, #tpu.memory_space<hbm>> -> memref<1x128x128xf32, #tpu.memory_space<hbm>>
      %dma_start3A_152 = tpu.memref_squeeze %dma_start3A_151 : memref<1x128x128xf32, #tpu.memory_space<hbm>> -> memref<128x128xf32, #tpu.memory_space<hbm>>
      %dma_start3A_153 = arith.constant 0 : i32
      %dma_start3A_154 = arith.constant 0 : i32
      %dma_start3A_155 = tpu.memref_slice %arg5[%add3A_144, %dma_start3A_153, %dma_start3A_154] : memref<80x128x128xf32, #tpu.memory_space<hbm>> -> memref<1x128x128xf32, #tpu.memory_space<hbm>>
      %dma_start3A_156 = tpu.memref_squeeze %dma_start3A_155 : memref<1x128x128xf32, #tpu.memory_space<hbm>> -> memref<128x128xf32, #tpu.memory_space<hbm>>
      %dma_start3A_157 = arith.constant 0 : i32
      %dma_start3A_158 = arith.constant 0 : i32
      %dma_start3A_159 = tpu.memref_slice %arg6[%while3A_123, %dma_start3A_157, %dma_start3A_158] : memref<3x128x128xf32, #tpu.memory_space<vmem>> -> memref<1x128x128xf32, #tpu.memory_space<vmem>>
      %dma_start3A_160 = tpu.memref_squeeze %dma_start3A_159 : memref<1x128x128xf32, #tpu.memory_space<vmem>> -> memref<128x128xf32, #tpu.memory_space<vmem>>
      tpu.enqueue_dma source(%dma_start3A_160 : memref<128x128xf32, #tpu.memory_space<vmem>>) target(%dma_start3A_156 : memref<128x128xf32, #tpu.memory_space<hbm>>) target_semaphore(%arg13 : memref<!tpu.dma_semaphore, #tpu.memory_space<semaphore_mem>>)
    }
    %while3A_111 = arith.constant 1 : i32
    scf.for %while3A_123 = %while3A_109 to %while3A_105 step %while3A_111  : i32 {
      %add3A_124 = vector.broadcast %while3A_123 : i32 to vector<16xi32>
      %add3A_125 = arith.addi %broadcast_in_dim3A_75, %add3A_124 : vector<16xi32>
      %lt3A = arith.constant 0 : i32
      %lt3A_126 = vector.broadcast %lt3A : i32 to vector<16xi32>
      %lt3A_127 = arith.cmpi slt, %add3A_125, %lt3A_126 : vector<16xi32>
      %add3A_128 = arith.constant 16 : i32
      %add3A_129 = vector.broadcast %add3A_128 : i32 to vector<16xi32>
      %add3A_130 = arith.addi %add3A_125, %add3A_129 : vector<16xi32>
      %select_n3A_131 = arith.select %lt3A_127, %add3A_130, %add3A_125 : vector<16xi1>, vector<16xi32>
      %broadcast_in_dim3A_132 = vector.shape_cast %select_n3A_131 : vector<16xi32> to vector<16x1xi32>
      %gather3A = vector.shape_cast %broadcast_in_dim3A_132 : vector<16x1xi32> to vector<16xi32>
      %gather3A_133 = tpu.dynamic_gather %scan3A_79[%gather3A] in [0] : vector<16xi32>, vector<16xi32> -> vector<16xi32>
      %slice3A = vector.extract_strided_slice %gather3A_133 {offsets = [0], sizes = [1], strides = [1]} : vector<16xi32> to vector<1xi32>
      %squeeze3A = vector.extract %slice3A[0] : i32 from vector<1xi32>
      %while3A_134 = arith.constant 0 : i32
      %while3A_135 = arith.constant 0 : i32
      %while3A_136 = arith.subi %squeeze3A, %while3A_135 : i32
      %while3A_137 = arith.addi %while3A_135, %while3A_136 : i32
      %while3A_138 = arith.constant 1 : i32
      %while3A_139 = arith.divsi %while3A_136, %while3A_138 : i32
      %while3A_140 = arith.muli %while3A_139, %while3A_138 : i32
      %while3A_141 = arith.addi %while3A_135, %while3A_140 : i32
      %while3A_142 = arith.constant 1 : i32
      scf.for %while3A_161 = %while3A_135 to %while3A_141 step %while3A_142  : i32 {
        %get3A = arith.index_cast %while3A_123 : i32 to index
        %get3A_162 = arith.index_cast %while3A_161 : i32 to index
        %get3A_163 = tpu.vector_load %arg9[%get3A, %get3A_162] {strides = array<i32>} : memref<3x1040xi32, #tpu.memory_space<vmem>>, vector<16xi32>,
        %slice3A_164 = vector.extract_strided_slice %get3A_163 {offsets = [0], sizes = [1], strides = [1]} : vector<16xi32> to vector<1xi32>
        %squeeze3A_165 = vector.extract %slice3A_164[0] : i32 from vector<1xi32>
        %mul3A_166 = arith.constant 4 : i32
        %mul3A_167 = arith.muli %mul3A_166, %squeeze3A_165 : i32
        %get3A_168 = arith.index_cast %mul3A_167 : i32 to index
        %get3A_169 = tpu.vector_load %arg7[%get3A_168] {strides = array<i32>} : memref<4096xi32, #tpu.memory_space<vmem>>, vector<16xi32>,
        %slice3A_170 = vector.extract_strided_slice %get3A_169 {offsets = [0], sizes = [1], strides = [1]} : vector<16xi32> to vector<1xi32>
        %squeeze3A_171 = vector.extract %slice3A_170[0] : i32 from vector<1xi32>
        %slice3A_172 = vector.extract_strided_slice %get3A_169 {offsets = [2], sizes = [1], strides = [1]} : vector<16xi32> to vector<1xi32>
        %squeeze3A_173 = vector.extract %slice3A_172[0] : i32 from vector<1xi32>
        %add3A_174 = arith.addi %squeeze3A_171, %squeeze3A_173 : i32
        %jit3A_175 = arith.constant 2 : i32
        %div3A_176 = arith.divsi %add3A_174, %jit3A_175 : i32
        %sign3A_177 = arith.constant 0 : i32
        %sign3A_178 = arith.cmpi sgt, %add3A_174, %sign3A_177 : i32
        %sign3A_179 = arith.extui %sign3A_178 : i1 to i32
        %sign3A_180 = arith.constant 0 : i32
        %sign3A_181 = arith.cmpi slt, %add3A_174, %sign3A_180 : i32
        %sign3A_182 = arith.extui %sign3A_181 : i1 to i32
        %sign3A_183 = arith.subi %sign3A_179, %sign3A_182 : i32
        %sign3A_184 = arith.constant 0 : i32
        %sign3A_185 = arith.cmpi sgt, %jit3A_175, %sign3A_184 : i32
        %sign3A_186 = arith.extui %sign3A_185 : i1 to i32
        %sign3A_187 = arith.constant 0 : i32
        %sign3A_188 = arith.cmpi slt, %jit3A_175, %sign3A_187 : i32
        %sign3A_189 = arith.extui %sign3A_188 : i1 to i32
        %sign3A_190 = arith.subi %sign3A_186, %sign3A_189 : i32
        %ne3A_191 = arith.cmpi ne, %sign3A_183, %sign3A_190 : i32
        %rem3A_192 = arith.remsi %add3A_174, %jit3A_175 : i32
        %ne3A_193 = arith.constant 0 : i32
        %ne3A_194 = arith.cmpi ne, %rem3A_192, %ne3A_193 : i32
        %and3A_195 = arith.andi %ne3A_191, %ne3A_194 : i1
        %sub3A_196 = arith.constant 1 : i32
        %sub3A_197 = arith.subi %div3A_176, %sub3A_196 : i32
        %select_n3A_198 = arith.select %and3A_195, %sub3A_197, %div3A_176 : i32
        %slice3A_199 = vector.extract_strided_slice %get3A_169 {offsets = [1], sizes = [1], strides = [1]} : vector<16xi32> to vector<1xi32>
        %squeeze3A_200 = vector.extract %slice3A_199[0] : i32 from vector<1xi32>
        %slice3A_201 = vector.extract_strided_slice %get3A_169 {offsets = [3], sizes = [1], strides = [1]} : vector<16xi32> to vector<1xi32>
        %squeeze3A_202 = vector.extract %slice3A_201[0] : i32 from vector<1xi32>
        %add3A_203 = arith.addi %squeeze3A_200, %squeeze3A_202 : i32
        %jit3A_204 = arith.constant 2 : i32
        %div3A_205 = arith.divsi %add3A_203, %jit3A_204 : i32
        %sign3A_206 = arith.constant 0 : i32
        %sign3A_207 = arith.cmpi sgt, %add3A_203, %sign3A_206 : i32
        %sign3A_208 = arith.extui %sign3A_207 : i1 to i32
        %sign3A_209 = arith.constant 0 : i32
        %sign3A_210 = arith.cmpi slt, %add3A_203, %sign3A_209 : i32
        %sign3A_211 = arith.extui %sign3A_210 : i1 to i32
        %sign3A_212 = arith.subi %sign3A_208, %sign3A_211 : i32
        %sign3A_213 = arith.constant 0 : i32
        %sign3A_214 = arith.cmpi sgt, %jit3A_204, %sign3A_213 : i32
        %sign3A_215 = arith.extui %sign3A_214 : i1 to i32
        %sign3A_216 = arith.constant 0 : i32
        %sign3A_217 = arith.cmpi slt, %jit3A_204, %sign3A_216 : i32
        %sign3A_218 = arith.extui %sign3A_217 : i1 to i32
        %sign3A_219 = arith.subi %sign3A_215, %sign3A_218 : i32
        %ne3A_220 = arith.cmpi ne, %sign3A_212, %sign3A_219 : i32
        %rem3A_221 = arith.remsi %add3A_203, %jit3A_204 : i32
        %ne3A_222 = arith.constant 0 : i32
        %ne3A_223 = arith.cmpi ne, %rem3A_221, %ne3A_222 : i32
        %and3A_224 = arith.andi %ne3A_220, %ne3A_223 : i1
        %sub3A_225 = arith.constant 1 : i32
        %sub3A_226 = arith.subi %div3A_205, %sub3A_225 : i32
        %select_n3A_227 = arith.select %and3A_224, %sub3A_226, %div3A_205 : i32
        %sub3A_228 = arith.constant 4 : i32
        %sub3A_229 = arith.subi %select_n3A_227, %sub3A_228 : i32
        %jit3A_230 = arith.constant 0 : i32
        %jit3A_231 = arith.constant 112 : i32
        %max3A = arith.maxsi %jit3A_230, %sub3A_229 : i32
        %min3A = arith.minsi %jit3A_231, %max3A : i32
        %sub3A_232 = arith.subi %min3A, %select_n3A_227 : i32
        %add3A_233 = vector.broadcast %sub3A_232 : i32 to vector<16xi32>
        %add3A_234 = arith.addi %iota3A, %add3A_233 : vector<16xi32>
        %convert_element_type3A_235 = arith.sitofp %add3A_234 : vector<16xi32> to vector<16xf32>
        %mul3A_236 = arith.mulf %convert_element_type3A_235, %convert_element_type3A_235 : vector<16xf32>
        %neg3A = arith.constant 0.000000e+00 : f32
        %neg3A_237 = vector.broadcast %neg3A : f32 to vector<16xf32>
        %neg3A_238 = arith.subf %neg3A_237, %mul3A_236 : vector<16xf32>
        %exp3A = math.exp %neg3A_238 : vector<16xf32>
        %add3A_239 = arith.constant -4 : i32
        %add3A_240 = arith.addi %select_n3A_198, %add3A_239 : i32
        %jit3A_241 = arith.constant 0 : i32
        %jit3A_242 = arith.constant 127 : i32
        %max3A_243 = arith.maxsi %jit3A_241, %add3A_240 : i32
        %min3A_244 = arith.minsi %jit3A_242, %max3A_243 : i32
        %mul3A_245 = arith.constant 1.12535176E-7 : f32
        %mul3A_246 = vector.broadcast %mul3A_245 : f32 to vector<16xf32>
        %mul3A_247 = arith.mulf %mul3A_246, %exp3A : vector<16xf32>
        %get3A_248 = arith.index_cast %while3A_123 : i32 to index
        %get3A_249 = arith.index_cast %min3A_244 : i32 to index
        %get3A_250 = arith.index_cast %min3A : i32 to index
        %get3A_251 = tpu.vector_load %arg6[%get3A_248, %get3A_249, %get3A_250] {strides = array<i32>} : memref<3x128x128xf32, #tpu.memory_space<vmem>>, vector<16xf32>,
        %max3A_252 = arith.maximumf %get3A_251, %mul3A_247 : vector<16xf32>
        %swap3A_253 = arith.index_cast %while3A_123 : i32 to index
        %swap3A_254 = arith.index_cast %min3A_244 : i32 to index
        %swap3A_255 = arith.index_cast %min3A : i32 to index
        %swap3A_256 = tpu.vector_load %arg6[%swap3A_253, %swap3A_254, %swap3A_255] {strides = array<i32>} : memref<3x128x128xf32, #tpu.memory_space<vmem>>, vector<16xf32>,
        tpu.vector_store %arg6[%swap3A_253, %swap3A_254, %swap3A_255], %max3A_252 {strides = array<i32>} : memref<3x128x128xf32, #tpu.memory_space<vmem>>, vector<16xf32>,
        %add3A_257 = arith.constant -3 : i32
        %add3A_258 = arith.addi %select_n3A_198, %add3A_257 : i32
        %jit3A_259 = arith.constant 0 : i32
        %jit3A_260 = arith.constant 127 : i32
        %max3A_261 = arith.maxsi %jit3A_259, %add3A_258 : i32
        %min3A_262 = arith.minsi %jit3A_260, %max3A_261 : i32
        %mul3A_263 = arith.constant 1.23409802E-4 : f32
        %mul3A_264 = vector.broadcast %mul3A_263 : f32 to vector<16xf32>
        %mul3A_265 = arith.mulf %mul3A_264, %exp3A : vector<16xf32>
        %get3A_266 = arith.index_cast %while3A_123 : i32 to index
        %get3A_267 = arith.index_cast %min3A_262 : i32 to index
        %get3A_268 = arith.index_cast %min3A : i32 to index
        %get3A_269 = tpu.vector_load %arg6[%get3A_266, %get3A_267, %get3A_268] {strides = array<i32>} : memref<3x128x128xf32, #tpu.memory_space<vmem>>, vector<16xf32>,
        %max3A_270 = arith.maximumf %get3A_269, %mul3A_265 : vector<16xf32>
        %swap3A_271 = arith.index_cast %while3A_123 : i32 to index
        %swap3A_272 = arith.index_cast %min3A_262 : i32 to index
        %swap3A_273 = arith.index_cast %min3A : i32 to index
        %swap3A_274 = tpu.vector_load %arg6[%swap3A_271, %swap3A_272, %swap3A_273] {strides = array<i32>} : memref<3x128x128xf32, #tpu.memory_space<vmem>>, vector<16xf32>,
        tpu.vector_store %arg6[%swap3A_271, %swap3A_272, %swap3A_273], %max3A_270 {strides = array<i32>} : memref<3x128x128xf32, #tpu.memory_space<vmem>>, vector<16xf32>,
        %add3A_275 = arith.constant -2 : i32
        %add3A_276 = arith.addi %select_n3A_198, %add3A_275 : i32
        %jit3A_277 = arith.constant 0 : i32
        %jit3A_278 = arith.constant 127 : i32
        %max3A_279 = arith.maxsi %jit3A_277, %add3A_276 : i32
        %min3A_280 = arith.minsi %jit3A_278, %max3A_279 : i32
        %mul3A_281 = arith.constant 0.0183156393 : f32
        %mul3A_282 = vector.broadcast %mul3A_281 : f32 to vector<16xf32>
        %mul3A_283 = arith.mulf %mul3A_282, %exp3A : vector<16xf32>
        %get3A_284 = arith.index_cast %while3A_123 : i32 to index
        %get3A_285 = arith.index_cast %min3A_280 : i32 to index
        %get3A_286 = arith.index_cast %min3A : i32 to index
        %get3A_287 = tpu.vector_load %arg6[%get3A_284, %get3A_285, %get3A_286] {strides = array<i32>} : memref<3x128x128xf32, #tpu.memory_space<vmem>>, vector<16xf32>,
        %max3A_288 = arith.maximumf %get3A_287, %mul3A_283 : vector<16xf32>
        %swap3A_289 = arith.index_cast %while3A_123 : i32 to index
        %swap3A_290 = arith.index_cast %min3A_280 : i32 to index
        %swap3A_291 = arith.index_cast %min3A : i32 to index
        %swap3A_292 = tpu.vector_load %arg6[%swap3A_289, %swap3A_290, %swap3A_291] {strides = array<i32>} : memref<3x128x128xf32, #tpu.memory_space<vmem>>, vector<16xf32>,
        tpu.vector_store %arg6[%swap3A_289, %swap3A_290, %swap3A_291], %max3A_288 {strides = array<i32>} : memref<3x128x128xf32, #tpu.memory_space<vmem>>, vector<16xf32>,
        %add3A_293 = arith.constant -1 : i32
        %add3A_294 = arith.addi %select_n3A_198, %add3A_293 : i32
        %jit3A_295 = arith.constant 0 : i32
        %jit3A_296 = arith.constant 127 : i32
        %max3A_297 = arith.maxsi %jit3A_295, %add3A_294 : i32
        %min3A_298 = arith.minsi %jit3A_296, %max3A_297 : i32
        %mul3A_299 = arith.constant 0.36787945 : f32
        %mul3A_300 = vector.broadcast %mul3A_299 : f32 to vector<16xf32>
        %mul3A_301 = arith.mulf %mul3A_300, %exp3A : vector<16xf32>
        %get3A_302 = arith.index_cast %while3A_123 : i32 to index
        %get3A_303 = arith.index_cast %min3A_298 : i32 to index
        %get3A_304 = arith.index_cast %min3A : i32 to index
        %get3A_305 = tpu.vector_load %arg6[%get3A_302, %get3A_303, %get3A_304] {strides = array<i32>} : memref<3x128x128xf32, #tpu.memory_space<vmem>>, vector<16xf32>,
        %max3A_306 = arith.maximumf %get3A_305, %mul3A_301 : vector<16xf32>
        %swap3A_307 = arith.index_cast %while3A_123 : i32 to index
        %swap3A_308 = arith.index_cast %min3A_298 : i32 to index
        %swap3A_309 = arith.index_cast %min3A : i32 to index
        %swap3A_310 = tpu.vector_load %arg6[%swap3A_307, %swap3A_308, %swap3A_309] {strides = array<i32>} : memref<3x128x128xf32, #tpu.memory_space<vmem>>, vector<16xf32>,
        tpu.vector_store %arg6[%swap3A_307, %swap3A_308, %swap3A_309], %max3A_306 {strides = array<i32>} : memref<3x128x128xf32, #tpu.memory_space<vmem>>, vector<16xf32>,
        %add3A_311 = arith.constant 0 : i32
        %add3A_312 = arith.addi %select_n3A_198, %add3A_311 : i32
        %jit3A_313 = arith.constant 0 : i32
        %jit3A_314 = arith.constant 127 : i32
        %max3A_315 = arith.maxsi %jit3A_313, %add3A_312 : i32
        %min3A_316 = arith.minsi %jit3A_314, %max3A_315 : i32
        %get3A_317 = arith.index_cast %while3A_123 : i32 to index
        %get3A_318 = arith.index_cast %min3A_316 : i32 to index
        %get3A_319 = arith.index_cast %min3A : i32 to index
        %get3A_320 = tpu.vector_load %arg6[%get3A_317, %get3A_318, %get3A_319] {strides = array<i32>} : memref<3x128x128xf32, #tpu.memory_space<vmem>>, vector<16xf32>,
        %max3A_321 = arith.maximumf %get3A_320, %exp3A : vector<16xf32>
        %swap3A_322 = arith.index_cast %while3A_123 : i32 to index
        %swap3A_323 = arith.index_cast %min3A_316 : i32 to index
        %swap3A_324 = arith.index_cast %min3A : i32 to index
        %swap3A_325 = tpu.vector_load %arg6[%swap3A_322, %swap3A_323, %swap3A_324] {strides = array<i32>} : memref<3x128x128xf32, #tpu.memory_space<vmem>>, vector<16xf32>,
        tpu.vector_store %arg6[%swap3A_322, %swap3A_323, %swap3A_324], %max3A_321 {strides = array<i32>} : memref<3x128x128xf32, #tpu.memory_space<vmem>>, vector<16xf32>,
        %add3A_326 = arith.constant 1 : i32
        %add3A_327 = arith.addi %select_n3A_198, %add3A_326 : i32
        %jit3A_328 = arith.constant 0 : i32
        %jit3A_329 = arith.constant 127 : i32
        %max3A_330 = arith.maxsi %jit3A_328, %add3A_327 : i32
        %min3A_331 = arith.minsi %jit3A_329, %max3A_330 : i32
        %mul3A_332 = arith.constant 0.36787945 : f32
        %mul3A_333 = vector.broadcast %mul3A_332 : f32 to vector<16xf32>
        %mul3A_334 = arith.mulf %mul3A_333, %exp3A : vector<16xf32>
        %get3A_335 = arith.index_cast %while3A_123 : i32 to index
        %get3A_336 = arith.index_cast %min3A_331 : i32 to index
        %get3A_337 = arith.index_cast %min3A : i32 to index
        %get3A_338 = tpu.vector_load %arg6[%get3A_335, %get3A_336, %get3A_337] {strides = array<i32>} : memref<3x128x128xf32, #tpu.memory_space<vmem>>, vector<16xf32>,
        %max3A_339 = arith.maximumf %get3A_338, %mul3A_334 : vector<16xf32>
        %swap3A_340 = arith.index_cast %while3A_123 : i32 to index
        %swap3A_341 = arith.index_cast %min3A_331 : i32 to index
        %swap3A_342 = arith.index_cast %min3A : i32 to index
        %swap3A_343 = tpu.vector_load %arg6[%swap3A_340, %swap3A_341, %swap3A_342] {strides = array<i32>} : memref<3x128x128xf32, #tpu.memory_space<vmem>>, vector<16xf32>,
        tpu.vector_store %arg6[%swap3A_340, %swap3A_341, %swap3A_342], %max3A_339 {strides = array<i32>} : memref<3x128x128xf32, #tpu.memory_space<vmem>>, vector<16xf32>,
        %add3A_344 = arith.constant 2 : i32
        %add3A_345 = arith.addi %select_n3A_198, %add3A_344 : i32
        %jit3A_346 = arith.constant 0 : i32
        %jit3A_347 = arith.constant 127 : i32
        %max3A_348 = arith.maxsi %jit3A_346, %add3A_345 : i32
        %min3A_349 = arith.minsi %jit3A_347, %max3A_348 : i32
        %mul3A_350 = arith.constant 0.0183156393 : f32
        %mul3A_351 = vector.broadcast %mul3A_350 : f32 to vector<16xf32>
        %mul3A_352 = arith.mulf %mul3A_351, %exp3A : vector<16xf32>
        %get3A_353 = arith.index_cast %while3A_123 : i32 to index
        %get3A_354 = arith.index_cast %min3A_349 : i32 to index
        %get3A_355 = arith.index_cast %min3A : i32 to index
        %get3A_356 = tpu.vector_load %arg6[%get3A_353, %get3A_354, %get3A_355] {strides = array<i32>} : memref<3x128x128xf32, #tpu.memory_space<vmem>>, vector<16xf32>,
        %max3A_357 = arith.maximumf %get3A_356, %mul3A_352 : vector<16xf32>
        %swap3A_358 = arith.index_cast %while3A_123 : i32 to index
        %swap3A_359 = arith.index_cast %min3A_349 : i32 to index
        %swap3A_360 = arith.index_cast %min3A : i32 to index
        %swap3A_361 = tpu.vector_load %arg6[%swap3A_358, %swap3A_359, %swap3A_360] {strides = array<i32>} : memref<3x128x128xf32, #tpu.memory_space<vmem>>, vector<16xf32>,
        tpu.vector_store %arg6[%swap3A_358, %swap3A_359, %swap3A_360], %max3A_357 {strides = array<i32>} : memref<3x128x128xf32, #tpu.memory_space<vmem>>, vector<16xf32>,
        %add3A_362 = arith.constant 3 : i32
        %add3A_363 = arith.addi %select_n3A_198, %add3A_362 : i32
        %jit3A_364 = arith.constant 0 : i32
        %jit3A_365 = arith.constant 127 : i32
        %max3A_366 = arith.maxsi %jit3A_364, %add3A_363 : i32
        %min3A_367 = arith.minsi %jit3A_365, %max3A_366 : i32
        %mul3A_368 = arith.constant 1.23409802E-4 : f32
        %mul3A_369 = vector.broadcast %mul3A_368 : f32 to vector<16xf32>
        %mul3A_370 = arith.mulf %mul3A_369, %exp3A : vector<16xf32>
        %get3A_371 = arith.index_cast %while3A_123 : i32 to index
        %get3A_372 = arith.index_cast %min3A_367 : i32 to index
        %get3A_373 = arith.index_cast %min3A : i32 to index
        %get3A_374 = tpu.vector_load %arg6[%get3A_371, %get3A_372, %get3A_373] {strides = array<i32>} : memref<3x128x128xf32, #tpu.memory_space<vmem>>, vector<16xf32>,
        %max3A_375 = arith.maximumf %get3A_374, %mul3A_370 : vector<16xf32>
        %swap3A_376 = arith.index_cast %while3A_123 : i32 to index
        %swap3A_377 = arith.index_cast %min3A_367 : i32 to index
        %swap3A_378 = arith.index_cast %min3A : i32 to index
        %swap3A_379 = tpu.vector_load %arg6[%swap3A_376, %swap3A_377, %swap3A_378] {strides = array<i32>} : memref<3x128x128xf32, #tpu.memory_space<vmem>>, vector<16xf32>,
        tpu.vector_store %arg6[%swap3A_376, %swap3A_377, %swap3A_378], %max3A_375 {strides = array<i32>} : memref<3x128x128xf32, #tpu.memory_space<vmem>>, vector<16xf32>,
        %add3A_380 = arith.constant 4 : i32
        %add3A_381 = arith.addi %select_n3A_198, %add3A_380 : i32
        %jit3A_382 = arith.constant 0 : i32
        %jit3A_383 = arith.constant 127 : i32
        %max3A_384 = arith.maxsi %jit3A_382, %add3A_381 : i32
        %min3A_385 = arith.minsi %jit3A_383, %max3A_384 : i32
        %mul3A_386 = arith.constant 1.12535176E-7 : f32
        %mul3A_387 = vector.broadcast %mul3A_386 : f32 to vector<16xf32>
        %mul3A_388 = arith.mulf %mul3A_387, %exp3A : vector<16xf32>
        %get3A_389 = arith.index_cast %while3A_123 : i32 to index
        %get3A_390 = arith.index_cast %min3A_385 : i32 to index
        %get3A_391 = arith.index_cast %min3A : i32 to index
        %get3A_392 = tpu.vector_load %arg6[%get3A_389, %get3A_390, %get3A_391] {strides = array<i32>} : memref<3x128x128xf32, #tpu.memory_space<vmem>>, vector<16xf32>,
        %max3A_393 = arith.maximumf %get3A_392, %mul3A_388 : vector<16xf32>
        %swap3A_394 = arith.index_cast %while3A_123 : i32 to index
        %swap3A_395 = arith.index_cast %min3A_385 : i32 to index
        %swap3A_396 = arith.index_cast %min3A : i32 to index
        %swap3A_397 = tpu.vector_load %arg6[%swap3A_394, %swap3A_395, %swap3A_396] {strides = array<i32>} : memref<3x128x128xf32, #tpu.memory_space<vmem>>, vector<16xf32>,
        tpu.vector_store %arg6[%swap3A_394, %swap3A_395, %swap3A_396], %max3A_393 {strides = array<i32>} : memref<3x128x128xf32, #tpu.memory_space<vmem>>, vector<16xf32>,
      }
      %while3A_143 = arith.constant 1 : i32
      scf.for %while3A_161 = %while3A_141 to %while3A_137 step %while3A_143  : i32 {
        %get3A = arith.index_cast %while3A_123 : i32 to index
        %get3A_162 = arith.index_cast %while3A_161 : i32 to index
        %get3A_163 = tpu.vector_load %arg9[%get3A, %get3A_162] {strides = array<i32>} : memref<3x1040xi32, #tpu.memory_space<vmem>>, vector<16xi32>,
        %slice3A_164 = vector.extract_strided_slice %get3A_163 {offsets = [0], sizes = [1], strides = [1]} : vector<16xi32> to vector<1xi32>
        %squeeze3A_165 = vector.extract %slice3A_164[0] : i32 from vector<1xi32>
        %mul3A_166 = arith.constant 4 : i32
        %mul3A_167 = arith.muli %mul3A_166, %squeeze3A_165 : i32
        %get3A_168 = arith.index_cast %mul3A_167 : i32 to index
        %get3A_169 = tpu.vector_load %arg7[%get3A_168] {strides = array<i32>} : memref<4096xi32, #tpu.memory_space<vmem>>, vector<16xi32>,
        %slice3A_170 = vector.extract_strided_slice %get3A_169 {offsets = [0], sizes = [1], strides = [1]} : vector<16xi32> to vector<1xi32>
        %squeeze3A_171 = vector.extract %slice3A_170[0] : i32 from vector<1xi32>
        %slice3A_172 = vector.extract_strided_slice %get3A_169 {offsets = [2], sizes = [1], strides = [1]} : vector<16xi32> to vector<1xi32>
        %squeeze3A_173 = vector.extract %slice3A_172[0] : i32 from vector<1xi32>
        %add3A_174 = arith.addi %squeeze3A_171, %squeeze3A_173 : i32
        %jit3A_175 = arith.constant 2 : i32
        %div3A_176 = arith.divsi %add3A_174, %jit3A_175 : i32
        %sign3A_177 = arith.constant 0 : i32
        %sign3A_178 = arith.cmpi sgt, %add3A_174, %sign3A_177 : i32
        %sign3A_179 = arith.extui %sign3A_178 : i1 to i32
        %sign3A_180 = arith.constant 0 : i32
        %sign3A_181 = arith.cmpi slt, %add3A_174, %sign3A_180 : i32
        %sign3A_182 = arith.extui %sign3A_181 : i1 to i32
        %sign3A_183 = arith.subi %sign3A_179, %sign3A_182 : i32
        %sign3A_184 = arith.constant 0 : i32
        %sign3A_185 = arith.cmpi sgt, %jit3A_175, %sign3A_184 : i32
        %sign3A_186 = arith.extui %sign3A_185 : i1 to i32
        %sign3A_187 = arith.constant 0 : i32
        %sign3A_188 = arith.cmpi slt, %jit3A_175, %sign3A_187 : i32
        %sign3A_189 = arith.extui %sign3A_188 : i1 to i32
        %sign3A_190 = arith.subi %sign3A_186, %sign3A_189 : i32
        %ne3A_191 = arith.cmpi ne, %sign3A_183, %sign3A_190 : i32
        %rem3A_192 = arith.remsi %add3A_174, %jit3A_175 : i32
        %ne3A_193 = arith.constant 0 : i32
        %ne3A_194 = arith.cmpi ne, %rem3A_192, %ne3A_193 : i32
        %and3A_195 = arith.andi %ne3A_191, %ne3A_194 : i1
        %sub3A_196 = arith.constant 1 : i32
        %sub3A_197 = arith.subi %div3A_176, %sub3A_196 : i32
        %select_n3A_198 = arith.select %and3A_195, %sub3A_197, %div3A_176 : i32
        %slice3A_199 = vector.extract_strided_slice %get3A_169 {offsets = [1], sizes = [1], strides = [1]} : vector<16xi32> to vector<1xi32>
        %squeeze3A_200 = vector.extract %slice3A_199[0] : i32 from vector<1xi32>
        %slice3A_201 = vector.extract_strided_slice %get3A_169 {offsets = [3], sizes = [1], strides = [1]} : vector<16xi32> to vector<1xi32>
        %squeeze3A_202 = vector.extract %slice3A_201[0] : i32 from vector<1xi32>
        %add3A_203 = arith.addi %squeeze3A_200, %squeeze3A_202 : i32
        %jit3A_204 = arith.constant 2 : i32
        %div3A_205 = arith.divsi %add3A_203, %jit3A_204 : i32
        %sign3A_206 = arith.constant 0 : i32
        %sign3A_207 = arith.cmpi sgt, %add3A_203, %sign3A_206 : i32
        %sign3A_208 = arith.extui %sign3A_207 : i1 to i32
        %sign3A_209 = arith.constant 0 : i32
        %sign3A_210 = arith.cmpi slt, %add3A_203, %sign3A_209 : i32
        %sign3A_211 = arith.extui %sign3A_210 : i1 to i32
        %sign3A_212 = arith.subi %sign3A_208, %sign3A_211 : i32
        %sign3A_213 = arith.constant 0 : i32
        %sign3A_214 = arith.cmpi sgt, %jit3A_204, %sign3A_213 : i32
        %sign3A_215 = arith.extui %sign3A_214 : i1 to i32
        %sign3A_216 = arith.constant 0 : i32
        %sign3A_217 = arith.cmpi slt, %jit3A_204, %sign3A_216 : i32
        %sign3A_218 = arith.extui %sign3A_217 : i1 to i32
        %sign3A_219 = arith.subi %sign3A_215, %sign3A_218 : i32
        %ne3A_220 = arith.cmpi ne, %sign3A_212, %sign3A_219 : i32
        %rem3A_221 = arith.remsi %add3A_203, %jit3A_204 : i32
        %ne3A_222 = arith.constant 0 : i32
        %ne3A_223 = arith.cmpi ne, %rem3A_221, %ne3A_222 : i32
        %and3A_224 = arith.andi %ne3A_220, %ne3A_223 : i1
        %sub3A_225 = arith.constant 1 : i32
        %sub3A_226 = arith.subi %div3A_205, %sub3A_225 : i32
        %select_n3A_227 = arith.select %and3A_224, %sub3A_226, %div3A_205 : i32
        %sub3A_228 = arith.constant 4 : i32
        %sub3A_229 = arith.subi %select_n3A_227, %sub3A_228 : i32
        %jit3A_230 = arith.constant 0 : i32
        %jit3A_231 = arith.constant 112 : i32
        %max3A = arith.maxsi %jit3A_230, %sub3A_229 : i32
        %min3A = arith.minsi %jit3A_231, %max3A : i32
        %sub3A_232 = arith.subi %min3A, %select_n3A_227 : i32
        %add3A_233 = vector.broadcast %sub3A_232 : i32 to vector<16xi32>
        %add3A_234 = arith.addi %iota3A, %add3A_233 : vector<16xi32>
        %convert_element_type3A_235 = arith.sitofp %add3A_234 : vector<16xi32> to vector<16xf32>
        %mul3A_236 = arith.mulf %convert_element_type3A_235, %convert_element_type3A_235 : vector<16xf32>
        %neg3A = arith.constant 0.000000e+00 : f32
        %neg3A_237 = vector.broadcast %neg3A : f32 to vector<16xf32>
        %neg3A_238 = arith.subf %neg3A_237, %mul3A_236 : vector<16xf32>
        %exp3A = math.exp %neg3A_238 : vector<16xf32>
        %add3A_239 = arith.constant -4 : i32
        %add3A_240 = arith.addi %select_n3A_198, %add3A_239 : i32
        %jit3A_241 = arith.constant 0 : i32
        %jit3A_242 = arith.constant 127 : i32
        %max3A_243 = arith.maxsi %jit3A_241, %add3A_240 : i32
        %min3A_244 = arith.minsi %jit3A_242, %max3A_243 : i32
        %mul3A_245 = arith.constant 1.12535176E-7 : f32
        %mul3A_246 = vector.broadcast %mul3A_245 : f32 to vector<16xf32>
        %mul3A_247 = arith.mulf %mul3A_246, %exp3A : vector<16xf32>
        %get3A_248 = arith.index_cast %while3A_123 : i32 to index
        %get3A_249 = arith.index_cast %min3A_244 : i32 to index
        %get3A_250 = arith.index_cast %min3A : i32 to index
        %get3A_251 = tpu.vector_load %arg6[%get3A_248, %get3A_249, %get3A_250] {strides = array<i32>} : memref<3x128x128xf32, #tpu.memory_space<vmem>>, vector<16xf32>,
        %max3A_252 = arith.maximumf %get3A_251, %mul3A_247 : vector<16xf32>
        %swap3A_253 = arith.index_cast %while3A_123 : i32 to index
        %swap3A_254 = arith.index_cast %min3A_244 : i32 to index
        %swap3A_255 = arith.index_cast %min3A : i32 to index
        %swap3A_256 = tpu.vector_load %arg6[%swap3A_253, %swap3A_254, %swap3A_255] {strides = array<i32>} : memref<3x128x128xf32, #tpu.memory_space<vmem>>, vector<16xf32>,
        tpu.vector_store %arg6[%swap3A_253, %swap3A_254, %swap3A_255], %max3A_252 {strides = array<i32>} : memref<3x128x128xf32, #tpu.memory_space<vmem>>, vector<16xf32>,
        %add3A_257 = arith.constant -3 : i32
        %add3A_258 = arith.addi %select_n3A_198, %add3A_257 : i32
        %jit3A_259 = arith.constant 0 : i32
        %jit3A_260 = arith.constant 127 : i32
        %max3A_261 = arith.maxsi %jit3A_259, %add3A_258 : i32
        %min3A_262 = arith.minsi %jit3A_260, %max3A_261 : i32
        %mul3A_263 = arith.constant 1.23409802E-4 : f32
        %mul3A_264 = vector.broadcast %mul3A_263 : f32 to vector<16xf32>
        %mul3A_265 = arith.mulf %mul3A_264, %exp3A : vector<16xf32>
        %get3A_266 = arith.index_cast %while3A_123 : i32 to index
        %get3A_267 = arith.index_cast %min3A_262 : i32 to index
        %get3A_268 = arith.index_cast %min3A : i32 to index
        %get3A_269 = tpu.vector_load %arg6[%get3A_266, %get3A_267, %get3A_268] {strides = array<i32>} : memref<3x128x128xf32, #tpu.memory_space<vmem>>, vector<16xf32>,
        %max3A_270 = arith.maximumf %get3A_269, %mul3A_265 : vector<16xf32>
        %swap3A_271 = arith.index_cast %while3A_123 : i32 to index
        %swap3A_272 = arith.index_cast %min3A_262 : i32 to index
        %swap3A_273 = arith.index_cast %min3A : i32 to index
        %swap3A_274 = tpu.vector_load %arg6[%swap3A_271, %swap3A_272, %swap3A_273] {strides = array<i32>} : memref<3x128x128xf32, #tpu.memory_space<vmem>>, vector<16xf32>,
        tpu.vector_store %arg6[%swap3A_271, %swap3A_272, %swap3A_273], %max3A_270 {strides = array<i32>} : memref<3x128x128xf32, #tpu.memory_space<vmem>>, vector<16xf32>,
        %add3A_275 = arith.constant -2 : i32
        %add3A_276 = arith.addi %select_n3A_198, %add3A_275 : i32
        %jit3A_277 = arith.constant 0 : i32
        %jit3A_278 = arith.constant 127 : i32
        %max3A_279 = arith.maxsi %jit3A_277, %add3A_276 : i32
        %min3A_280 = arith.minsi %jit3A_278, %max3A_279 : i32
        %mul3A_281 = arith.constant 0.0183156393 : f32
        %mul3A_282 = vector.broadcast %mul3A_281 : f32 to vector<16xf32>
        %mul3A_283 = arith.mulf %mul3A_282, %exp3A : vector<16xf32>
        %get3A_284 = arith.index_cast %while3A_123 : i32 to index
        %get3A_285 = arith.index_cast %min3A_280 : i32 to index
        %get3A_286 = arith.index_cast %min3A : i32 to index
        %get3A_287 = tpu.vector_load %arg6[%get3A_284, %get3A_285, %get3A_286] {strides = array<i32>} : memref<3x128x128xf32, #tpu.memory_space<vmem>>, vector<16xf32>,
        %max3A_288 = arith.maximumf %get3A_287, %mul3A_283 : vector<16xf32>
        %swap3A_289 = arith.index_cast %while3A_123 : i32 to index
        %swap3A_290 = arith.index_cast %min3A_280 : i32 to index
        %swap3A_291 = arith.index_cast %min3A : i32 to index
        %swap3A_292 = tpu.vector_load %arg6[%swap3A_289, %swap3A_290, %swap3A_291] {strides = array<i32>} : memref<3x128x128xf32, #tpu.memory_space<vmem>>, vector<16xf32>,
        tpu.vector_store %arg6[%swap3A_289, %swap3A_290, %swap3A_291], %max3A_288 {strides = array<i32>} : memref<3x128x128xf32, #tpu.memory_space<vmem>>, vector<16xf32>,
        %add3A_293 = arith.constant -1 : i32
        %add3A_294 = arith.addi %select_n3A_198, %add3A_293 : i32
        %jit3A_295 = arith.constant 0 : i32
        %jit3A_296 = arith.constant 127 : i32
        %max3A_297 = arith.maxsi %jit3A_295, %add3A_294 : i32
        %min3A_298 = arith.minsi %jit3A_296, %max3A_297 : i32
        %mul3A_299 = arith.constant 0.36787945 : f32
        %mul3A_300 = vector.broadcast %mul3A_299 : f32 to vector<16xf32>
        %mul3A_301 = arith.mulf %mul3A_300, %exp3A : vector<16xf32>
        %get3A_302 = arith.index_cast %while3A_123 : i32 to index
        %get3A_303 = arith.index_cast %min3A_298 : i32 to index
        %get3A_304 = arith.index_cast %min3A : i32 to index
        %get3A_305 = tpu.vector_load %arg6[%get3A_302, %get3A_303, %get3A_304] {strides = array<i32>} : memref<3x128x128xf32, #tpu.memory_space<vmem>>, vector<16xf32>,
        %max3A_306 = arith.maximumf %get3A_305, %mul3A_301 : vector<16xf32>
        %swap3A_307 = arith.index_cast %while3A_123 : i32 to index
        %swap3A_308 = arith.index_cast %min3A_298 : i32 to index
        %swap3A_309 = arith.index_cast %min3A : i32 to index
        %swap3A_310 = tpu.vector_load %arg6[%swap3A_307, %swap3A_308, %swap3A_309] {strides = array<i32>} : memref<3x128x128xf32, #tpu.memory_space<vmem>>, vector<16xf32>,
        tpu.vector_store %arg6[%swap3A_307, %swap3A_308, %swap3A_309], %max3A_306 {strides = array<i32>} : memref<3x128x128xf32, #tpu.memory_space<vmem>>, vector<16xf32>,
        %add3A_311 = arith.constant 0 : i32
        %add3A_312 = arith.addi %select_n3A_198, %add3A_311 : i32
        %jit3A_313 = arith.constant 0 : i32
        %jit3A_314 = arith.constant 127 : i32
        %max3A_315 = arith.maxsi %jit3A_313, %add3A_312 : i32
        %min3A_316 = arith.minsi %jit3A_314, %max3A_315 : i32
        %get3A_317 = arith.index_cast %while3A_123 : i32 to index
        %get3A_318 = arith.index_cast %min3A_316 : i32 to index
        %get3A_319 = arith.index_cast %min3A : i32 to index
        %get3A_320 = tpu.vector_load %arg6[%get3A_317, %get3A_318, %get3A_319] {strides = array<i32>} : memref<3x128x128xf32, #tpu.memory_space<vmem>>, vector<16xf32>,
        %max3A_321 = arith.maximumf %get3A_320, %exp3A : vector<16xf32>
        %swap3A_322 = arith.index_cast %while3A_123 : i32 to index
        %swap3A_323 = arith.index_cast %min3A_316 : i32 to index
        %swap3A_324 = arith.index_cast %min3A : i32 to index
        %swap3A_325 = tpu.vector_load %arg6[%swap3A_322, %swap3A_323, %swap3A_324] {strides = array<i32>} : memref<3x128x128xf32, #tpu.memory_space<vmem>>, vector<16xf32>,
        tpu.vector_store %arg6[%swap3A_322, %swap3A_323, %swap3A_324], %max3A_321 {strides = array<i32>} : memref<3x128x128xf32, #tpu.memory_space<vmem>>, vector<16xf32>,
        %add3A_326 = arith.constant 1 : i32
        %add3A_327 = arith.addi %select_n3A_198, %add3A_326 : i32
        %jit3A_328 = arith.constant 0 : i32
        %jit3A_329 = arith.constant 127 : i32
        %max3A_330 = arith.maxsi %jit3A_328, %add3A_327 : i32
        %min3A_331 = arith.minsi %jit3A_329, %max3A_330 : i32
        %mul3A_332 = arith.constant 0.36787945 : f32
        %mul3A_333 = vector.broadcast %mul3A_332 : f32 to vector<16xf32>
        %mul3A_334 = arith.mulf %mul3A_333, %exp3A : vector<16xf32>
        %get3A_335 = arith.index_cast %while3A_123 : i32 to index
        %get3A_336 = arith.index_cast %min3A_331 : i32 to index
        %get3A_337 = arith.index_cast %min3A : i32 to index
        %get3A_338 = tpu.vector_load %arg6[%get3A_335, %get3A_336, %get3A_337] {strides = array<i32>} : memref<3x128x128xf32, #tpu.memory_space<vmem>>, vector<16xf32>,
        %max3A_339 = arith.maximumf %get3A_338, %mul3A_334 : vector<16xf32>
        %swap3A_340 = arith.index_cast %while3A_123 : i32 to index
        %swap3A_341 = arith.index_cast %min3A_331 : i32 to index
        %swap3A_342 = arith.index_cast %min3A : i32 to index
        %swap3A_343 = tpu.vector_load %arg6[%swap3A_340, %swap3A_341, %swap3A_342] {strides = array<i32>} : memref<3x128x128xf32, #tpu.memory_space<vmem>>, vector<16xf32>,
        tpu.vector_store %arg6[%swap3A_340, %swap3A_341, %swap3A_342], %max3A_339 {strides = array<i32>} : memref<3x128x128xf32, #tpu.memory_space<vmem>>, vector<16xf32>,
        %add3A_344 = arith.constant 2 : i32
        %add3A_345 = arith.addi %select_n3A_198, %add3A_344 : i32
        %jit3A_346 = arith.constant 0 : i32
        %jit3A_347 = arith.constant 127 : i32
        %max3A_348 = arith.maxsi %jit3A_346, %add3A_345 : i32
        %min3A_349 = arith.minsi %jit3A_347, %max3A_348 : i32
        %mul3A_350 = arith.constant 0.0183156393 : f32
        %mul3A_351 = vector.broadcast %mul3A_350 : f32 to vector<16xf32>
        %mul3A_352 = arith.mulf %mul3A_351, %exp3A : vector<16xf32>
        %get3A_353 = arith.index_cast %while3A_123 : i32 to index
        %get3A_354 = arith.index_cast %min3A_349 : i32 to index
        %get3A_355 = arith.index_cast %min3A : i32 to index
        %get3A_356 = tpu.vector_load %arg6[%get3A_353, %get3A_354, %get3A_355] {strides = array<i32>} : memref<3x128x128xf32, #tpu.memory_space<vmem>>, vector<16xf32>,
        %max3A_357 = arith.maximumf %get3A_356, %mul3A_352 : vector<16xf32>
        %swap3A_358 = arith.index_cast %while3A_123 : i32 to index
        %swap3A_359 = arith.index_cast %min3A_349 : i32 to index
        %swap3A_360 = arith.index_cast %min3A : i32 to index
        %swap3A_361 = tpu.vector_load %arg6[%swap3A_358, %swap3A_359, %swap3A_360] {strides = array<i32>} : memref<3x128x128xf32, #tpu.memory_space<vmem>>, vector<16xf32>,
        tpu.vector_store %arg6[%swap3A_358, %swap3A_359, %swap3A_360], %max3A_357 {strides = array<i32>} : memref<3x128x128xf32, #tpu.memory_space<vmem>>, vector<16xf32>,
        %add3A_362 = arith.constant 3 : i32
        %add3A_363 = arith.addi %select_n3A_198, %add3A_362 : i32
        %jit3A_364 = arith.constant 0 : i32
        %jit3A_365 = arith.constant 127 : i32
        %max3A_366 = arith.maxsi %jit3A_364, %add3A_363 : i32
        %min3A_367 = arith.minsi %jit3A_365, %max3A_366 : i32
        %mul3A_368 = arith.constant 1.23409802E-4 : f32
        %mul3A_369 = vector.broadcast %mul3A_368 : f32 to vector<16xf32>
        %mul3A_370 = arith.mulf %mul3A_369, %exp3A : vector<16xf32>
        %get3A_371 = arith.index_cast %while3A_123 : i32 to index
        %get3A_372 = arith.index_cast %min3A_367 : i32 to index
        %get3A_373 = arith.index_cast %min3A : i32 to index
        %get3A_374 = tpu.vector_load %arg6[%get3A_371, %get3A_372, %get3A_373] {strides = array<i32>} : memref<3x128x128xf32, #tpu.memory_space<vmem>>, vector<16xf32>,
        %max3A_375 = arith.maximumf %get3A_374, %mul3A_370 : vector<16xf32>
        %swap3A_376 = arith.index_cast %while3A_123 : i32 to index
        %swap3A_377 = arith.index_cast %min3A_367 : i32 to index
        %swap3A_378 = arith.index_cast %min3A : i32 to index
        %swap3A_379 = tpu.vector_load %arg6[%swap3A_376, %swap3A_377, %swap3A_378] {strides = array<i32>} : memref<3x128x128xf32, #tpu.memory_space<vmem>>, vector<16xf32>,
        tpu.vector_store %arg6[%swap3A_376, %swap3A_377, %swap3A_378], %max3A_375 {strides = array<i32>} : memref<3x128x128xf32, #tpu.memory_space<vmem>>, vector<16xf32>,
        %add3A_380 = arith.constant 4 : i32
        %add3A_381 = arith.addi %select_n3A_198, %add3A_380 : i32
        %jit3A_382 = arith.constant 0 : i32
        %jit3A_383 = arith.constant 127 : i32
        %max3A_384 = arith.maxsi %jit3A_382, %add3A_381 : i32
        %min3A_385 = arith.minsi %jit3A_383, %max3A_384 : i32
        %mul3A_386 = arith.constant 1.12535176E-7 : f32
        %mul3A_387 = vector.broadcast %mul3A_386 : f32 to vector<16xf32>
        %mul3A_388 = arith.mulf %mul3A_387, %exp3A : vector<16xf32>
        %get3A_389 = arith.index_cast %while3A_123 : i32 to index
        %get3A_390 = arith.index_cast %min3A_385 : i32 to index
        %get3A_391 = arith.index_cast %min3A : i32 to index
        %get3A_392 = tpu.vector_load %arg6[%get3A_389, %get3A_390, %get3A_391] {strides = array<i32>} : memref<3x128x128xf32, #tpu.memory_space<vmem>>, vector<16xf32>,
        %max3A_393 = arith.maximumf %get3A_392, %mul3A_388 : vector<16xf32>
        %swap3A_394 = arith.index_cast %while3A_123 : i32 to index
        %swap3A_395 = arith.index_cast %min3A_385 : i32 to index
        %swap3A_396 = arith.index_cast %min3A : i32 to index
        %swap3A_397 = tpu.vector_load %arg6[%swap3A_394, %swap3A_395, %swap3A_396] {strides = array<i32>} : memref<3x128x128xf32, #tpu.memory_space<vmem>>, vector<16xf32>,
        tpu.vector_store %arg6[%swap3A_394, %swap3A_395, %swap3A_396], %max3A_393 {strides = array<i32>} : memref<3x128x128xf32, #tpu.memory_space<vmem>>, vector<16xf32>,
      }
      %add3A_144 = arith.addi %select_n3A, %while3A_123 : i32
      %dma_start3A_145 = arith.constant 0 : i32
      %dma_start3A_146 = arith.constant 0 : i32
      %dma_start3A_147 = tpu.memref_slice %arg6[%while3A_123, %dma_start3A_145, %dma_start3A_146] : memref<3x128x128xf32, #tpu.memory_space<vmem>> -> memref<1x128x128xf32, #tpu.memory_space<vmem>>
      %dma_start3A_148 = tpu.memref_squeeze %dma_start3A_147 : memref<1x128x128xf32, #tpu.memory_space<vmem>> -> memref<128x128xf32, #tpu.memory_space<vmem>>
      %dma_start3A_149 = arith.constant 0 : i32
      %dma_start3A_150 = arith.constant 0 : i32
      %dma_start3A_151 = tpu.memref_slice %arg5[%add3A_144, %dma_start3A_149, %dma_start3A_150] : memref<80x128x128xf32, #tpu.memory_space<hbm>> -> memref<1x128x128xf32, #tpu.memory_space<hbm>>
      %dma_start3A_152 = tpu.memref_squeeze %dma_start3A_151 : memref<1x128x128xf32, #tpu.memory_space<hbm>> -> memref<128x128xf32, #tpu.memory_space<hbm>>
      %dma_start3A_153 = arith.constant 0 : i32
      %dma_start3A_154 = arith.constant 0 : i32
      %dma_start3A_155 = tpu.memref_slice %arg5[%add3A_144, %dma_start3A_153, %dma_start3A_154] : memref<80x128x128xf32, #tpu.memory_space<hbm>> -> memref<1x128x128xf32, #tpu.memory_space<hbm>>
      %dma_start3A_156 = tpu.memref_squeeze %dma_start3A_155 : memref<1x128x128xf32, #tpu.memory_space<hbm>> -> memref<128x128xf32, #tpu.memory_space<hbm>>
      %dma_start3A_157 = arith.constant 0 : i32
      %dma_start3A_158 = arith.constant 0 : i32
      %dma_start3A_159 = tpu.memref_slice %arg6[%while3A_123, %dma_start3A_157, %dma_start3A_158] : memref<3x128x128xf32, #tpu.memory_space<vmem>> -> memref<1x128x128xf32, #tpu.memory_space<vmem>>
      %dma_start3A_160 = tpu.memref_squeeze %dma_start3A_159 : memref<1x128x128xf32, #tpu.memory_space<vmem>> -> memref<128x128xf32, #tpu.memory_space<vmem>>
      tpu.enqueue_dma source(%dma_start3A_160 : memref<128x128xf32, #tpu.memory_space<vmem>>) target(%dma_start3A_156 : memref<128x128xf32, #tpu.memory_space<hbm>>) target_semaphore(%arg13 : memref<!tpu.dma_semaphore, #tpu.memory_space<semaphore_mem>>)
    }
    %while3A_112 = arith.constant 0 : i32
    %while3A_113 = arith.constant 0 : i32
    %while3A_114 = arith.constant 0 : i32
    %while3A_115 = arith.subi %sub3A_81, %while3A_114 : i32
    %while3A_116 = arith.addi %while3A_114, %while3A_115 : i32
    %while3A_117 = arith.constant 1 : i32
    %while3A_118 = arith.divsi %while3A_115, %while3A_117 : i32
    %while3A_119 = arith.muli %while3A_118, %while3A_117 : i32
    %while3A_120 = arith.addi %while3A_114, %while3A_119 : i32
    %while3A_121 = arith.constant 1 : i32
    scf.for %while3A_123 = %while3A_114 to %while3A_120 step %while3A_121  : i32 {
      %dma_wait3A_124 = arith.constant 0 : i32
      %dma_wait3A_125 = arith.constant 0 : i32
      %dma_wait3A_126 = tpu.memref_slice %arg6[%while3A_113, %dma_wait3A_124, %dma_wait3A_125] : memref<3x128x128xf32, #tpu.memory_space<vmem>> -> memref<1x128x128xf32, #tpu.memory_space<vmem>>
      %dma_wait3A_127 = tpu.memref_squeeze %dma_wait3A_126 : memref<1x128x128xf32, #tpu.memory_space<vmem>> -> memref<128x128xf32, #tpu.memory_space<vmem>>
      %dma_wait3A_128 = arith.constant 0 : i32
      %dma_wait3A_129 = arith.constant 0 : i32
      %dma_wait3A_130 = tpu.memref_slice %arg5[%select_n3A, %dma_wait3A_128, %dma_wait3A_129] : memref<80x128x128xf32, #tpu.memory_space<hbm>> -> memref<1x128x128xf32, #tpu.memory_space<hbm>>
      %dma_wait3A_131 = tpu.memref_squeeze %dma_wait3A_130 : memref<1x128x128xf32, #tpu.memory_space<hbm>> -> memref<128x128xf32, #tpu.memory_space<hbm>>
      %dma_wait3A_132 = arith.constant 0 : i32
      %dma_wait3A_133 = arith.constant 0 : i32
      %dma_wait3A_134 = tpu.memref_slice %arg5[%select_n3A, %dma_wait3A_132, %dma_wait3A_133] : memref<80x128x128xf32, #tpu.memory_space<hbm>> -> memref<1x128x128xf32, #tpu.memory_space<hbm>>
      %dma_wait3A_135 = tpu.memref_squeeze %dma_wait3A_134 : memref<1x128x128xf32, #tpu.memory_space<hbm>> -> memref<128x128xf32, #tpu.memory_space<hbm>>
      %dma_wait3A_136 = arith.constant 0 : i32
      %dma_wait3A_137 = arith.constant 0 : i32
      %dma_wait3A_138 = tpu.memref_slice %arg6[%while3A_113, %dma_wait3A_136, %dma_wait3A_137] : memref<3x128x128xf32, #tpu.memory_space<vmem>> -> memref<1x128x128xf32, #tpu.memory_space<vmem>>
      %dma_wait3A_139 = tpu.memref_squeeze %dma_wait3A_138 : memref<1x128x128xf32, #tpu.memory_space<vmem>> -> memref<128x128xf32, #tpu.memory_space<vmem>>
      tpu.wait_dma2 semaphore(%arg13 : memref<!tpu.dma_semaphore, #tpu.memory_space<semaphore_mem>>) src(%dma_wait3A_139 : memref<128x128xf32, #tpu.memory_space<vmem>>) dst(%dma_wait3A_135 : memref<128x128xf32, #tpu.memory_space<hbm>>)
    }
    %while3A_122 = arith.constant 1 : i32
    scf.for %while3A_123 = %while3A_120 to %while3A_116 step %while3A_122  : i32 {
      %dma_wait3A_124 = arith.constant 0 : i32
      %dma_wait3A_125 = arith.constant 0 : i32
      %dma_wait3A_126 = tpu.memref_slice %arg6[%while3A_113, %dma_wait3A_124, %dma_wait3A_125] : memref<3x128x128xf32, #tpu.memory_space<vmem>> -> memref<1x128x128xf32, #tpu.memory_space<vmem>>
      %dma_wait3A_127 = tpu.memref_squeeze %dma_wait3A_126 : memref<1x128x128xf32, #tpu.memory_space<vmem>> -> memref<128x128xf32, #tpu.memory_space<vmem>>
      %dma_wait3A_128 = arith.constant 0 : i32
      %dma_wait3A_129 = arith.constant 0 : i32
      %dma_wait3A_130 = tpu.memref_slice %arg5[%select_n3A, %dma_wait3A_128, %dma_wait3A_129] : memref<80x128x128xf32, #tpu.memory_space<hbm>> -> memref<1x128x128xf32, #tpu.memory_space<hbm>>
      %dma_wait3A_131 = tpu.memref_squeeze %dma_wait3A_130 : memref<1x128x128xf32, #tpu.memory_space<hbm>> -> memref<128x128xf32, #tpu.memory_space<hbm>>
      %dma_wait3A_132 = arith.constant 0 : i32
      %dma_wait3A_133 = arith.constant 0 : i32
      %dma_wait3A_134 = tpu.memref_slice %arg5[%select_n3A, %dma_wait3A_132, %dma_wait3A_133] : memref<80x128x128xf32, #tpu.memory_space<hbm>> -> memref<1x128x128xf32, #tpu.memory_space<hbm>>
      %dma_wait3A_135 = tpu.memref_squeeze %dma_wait3A_134 : memref<1x128x128xf32, #tpu.memory_space<hbm>> -> memref<128x128xf32, #tpu.memory_space<hbm>>
      %dma_wait3A_136 = arith.constant 0 : i32
      %dma_wait3A_137 = arith.constant 0 : i32
      %dma_wait3A_138 = tpu.memref_slice %arg6[%while3A_113, %dma_wait3A_136, %dma_wait3A_137] : memref<3x128x128xf32, #tpu.memory_space<vmem>> -> memref<1x128x128xf32, #tpu.memory_space<vmem>>
      %dma_wait3A_139 = tpu.memref_squeeze %dma_wait3A_138 : memref<1x128x128xf32, #tpu.memory_space<vmem>> -> memref<128x128xf32, #tpu.memory_space<vmem>>
      tpu.wait_dma2 semaphore(%arg13 : memref<!tpu.dma_semaphore, #tpu.memory_space<semaphore_mem>>) src(%dma_wait3A_139 : memref<128x128xf32, #tpu.memory_space<vmem>>) dst(%dma_wait3A_135 : memref<128x128xf32, #tpu.memory_space<hbm>>)
    }
    return
  }
}

</mosaic_0001>

<sc_bundles>
// kernel: kernel.3.cloned.1.call-start
scs
__scs_entry_jumppad:
0x0: {  	(pc) =	sbr.rel $0x88, $3  }
0x1: {  	(tag) =	ssettag $0x0;
	lr =	simm.s32 $0x1  }
0x2: {  	[smem:$0x3F9E] =	sst lr;
	_ =	strace $0xD0000000  }
0x3: {  	_ = 	snop  }
0x4: {  	_ = 	snop  }
0x5: {  	_ = 	snop  }
0x6: {  	_ = 	snop  }
0x7: {  	_ = 	snop  }
__scs_overlays_trampoline_lowered:
0x8: {  	[smem:$0x3FAD] =	sst s0  }
0x9: {  	[smem:$0x3FAE] =	sst s1  }
0xa: {  	[smem:$0x3FAF] =	sst s2  }
0xb: {  	[smem:$0x3FB0] =	sst s3  }
0xc: {  	[smem:$0x3FB1] =	sst s4  }
0xd: {  	[smem:$0x3FB2] =	sst s5  }
0xe: {  	[smem:$0x3FB3] =	sst s6  }
0xf: {  	[smem:$0x3FB4] =	sst s7  }
0x10: {  	[smem:$0x3FB5] =	sst s8  }
0x11: {  	[smem:$0x3FB6] =	sst s9;
	s0 =	simm.s32 @!p0 $0x0  }
0x12: {  	s1 =	sld [smem:$0x3F9C];
	s0 =	simm.s32 @p0 $0x1  }
0x13: {  	[smem:$0x3FB7] =	sst s0;
	s0 =	simm.s32 @!p1 $0x0  }
0x14: {  	s2 =	sld [smem:$0x3F9B];
	s0 =	simm.s32 @p1 $0x1  }
0x15: {  	[smem:$0x3FB8] =	sst s0;
	s0 =	simm.s32 @!p2 $0x0  }
0x16: {  	s3 =	sld [smem:$0x3FDB];
	s0 =	simm.s32 @p2 $0x1  }
0x17: {  	s4 =	simm.s32 $0x1BF5;
	[smem:$0x3FBA] =	sst s0  }
0x18: {  	s0 =	sld [smem:$0x3F9D];
	_ =	swait.ge [sflag:s4], $0x0  }
0x19: {  	s7 =	sld [smem:$0x3F9E]  }
0x1a: {  	s8 =	sadd.s32 $0xFFFFE003, lr  }
0x1b: {  	s9 =	sadd.s32 $0xFFFFFEF7, lr;
	s5 =	simm.s32 $0xFFFFFFFF;
	p2 =	slt.u32 s8, $0xFFFFF086  }
0x1c: {  	p1 =	slt.u32 s9, $0xF7A;
	s5 =	simm.s32 @!p2 $0x0  }
0x1d: {  	s5 =	simm.s32 @p1 $0x1;
	p0 =	seq.s32 s7, s2  }
0x1e: {  	s7 =	smul.u32 @!p0 $0xF7A, s2;
	p2 =	seq.s32 @!p0 s5, $0x0  }
0x1f: {  	s9 =	smul.u32 $0xF7A, s1;
	s8 =	simm.s32 @!p0 $0x1BF5;
	p2 =	por !p2, p0  }
0x20: {  	[sflag:s8] =	ssyncset.s32 @!p0 $0xFFFFF086;
	s6 =	sadd.s32 @!p0 s3, s7;
	s7 =	simm.s32 @!p0 $0x108  }
0x21: {  	s3 =	sadd.s32 s3, s9;
	s6 =	sadd.s32 @!p0 $0x88, s6;
	s7 =	simm.s32 @p2 $0x1082  }
0x22: {  	[simem:s7], [sflag:s8] =	dma.local @!p0 [hbm:s6], $0xF7A  }
0x23: {  	s9 =	sor.u32 $0xD0000000, s2;
	s6 =	simm.s32 $0x108;
	_ =	swait.ge @!p0 [sflag:s8], $0x0  }
0x24: {  	s3 =	sadd.s32 $0x88, s3;
	s6 =	simm.s32 @!p1 $0x1082;
	[sflag:s4] =	ssyncset.s32 $0xFFFFF086  }
0x25: {  	[simem:s6], [sflag:s4] =	dma.local [hbm:s3], $0xF7A  }
0x26: {  	[smem:$0x3F9E] =	sst s1;
	(tag) =	ssettag s2;
	_ =	strace s9  }
0x27: {  	s1 =	sld [smem:$0x3FAE]  }
0x28: {  	s2 =	sld [smem:$0x3FAF]  }
0x29: {  	s4 =	sld [smem:$0x3FB1]  }
0x2a: {  	p0 =	seq.s32 s5, $0x0;
	s5 =	sld [smem:$0x3FB2]  }
0x2b: {  	s6 =	sld [smem:$0x3FB3]  }
0x2c: {  	s7 =	sld [smem:$0x3FB4]  }
0x2d: {  	s3 =	simm.s32 $0x108;
	s8 =	sld [smem:$0x3FB5]  }
0x2e: {  	s3 =	simm.s32 @!p0 $0x1082;
	s9 =	sld [smem:$0x3FB6]  }
0x2f: {  	lr =	sadd.s32 s0, s3;
	s0 =	sld [smem:$0x3FAD]  }
0x30: {  	s3 =	sld [smem:$0x3FB0]  }
0x31: {  	[smem:$0x3FB9] =	sst s10  }
0x32: {  	s10 =	sld [smem:$0x3FB7];
	_ =	sdelay $0x3  }
0x33: {  	p0 =	seq.s32 s10, $0x1;
	s10 =	sld [smem:$0x3FB9];
	_ =	sdelay $0x3  }
0x34: {  	[smem:$0x3FB9] =	sst s10  }
0x35: {  	s10 =	sld [smem:$0x3FB8];
	_ =	sdelay $0x3  }
0x36: {  	p1 =	seq.s32 s10, $0x1;
	s10 =	sld [smem:$0x3FB9];
	_ =	sdelay $0x3  }
0x37: {  	[smem:$0x3FB9] =	sst s10  }
0x38: {  	s10 =	sld [smem:$0x3FBA]  }
0x39: {  	_ = 	snop;
	(pc) =	sbr.ind lr, $3  }
0x3a: {  	_ = 	snop  }
0x3b: {  	_ = 	snop  }
0x3c: {  	p2 =	seq.s32 s10, $0x1;
	s10 =	sld [smem:$0x3FB9]  }
0x3d: {  	_ =	shalt  }
0x3e: {  	_ =	shalt  }
0x3f: {  	_ =	shalt  }
0x40: {  	_ =	shalt  }
0x41: {  	_ =	shalt  }
0x42: {  	_ =	shalt  }
0x43: {  	_ =	shalt  }
0x44: {  	_ =	shalt  }
0x45: {  	_ =	shalt  }
0x46: {  	_ =	shalt  }
0x47: {  	_ =	shalt  }
0x48: {  	_ =	shalt  }
0x49: {  	_ =	shalt  }
0x4a: {  	_ =	shalt  }
0x4b: {  	_ =	shalt  }
0x4c: {  	_ =	shalt  }
0x4d: {  	_ =	shalt  }
0x4e: {  	_ =	shalt  }
0x4f: {  	_ =	shalt  }
0x50: {  	_ =	shalt  }
0x51: {  	_ =	shalt  }
0x52: {  	_ =	shalt  }
0x53: {  	_ =	shalt  }
0x54: {  	_ =	shalt  }
0x55: {  	_ =	shalt  }
0x56: {  	_ =	shalt  }
0x57: {  	_ =	shalt  }
0x58: {  	_ =	shalt  }
0x59: {  	_ =	shalt  }
0x5a: {  	_ =	shalt  }
0x5b: {  	_ =	shalt  }
0x5c: {  	_ =	shalt  }
0x5d: {  	_ =	shalt  }
0x5e: {  	_ =	shalt  }
0x5f: {  	_ =	shalt  }
0x60: {  	_ =	shalt  }
0x61: {  	_ =	shalt  }
0x62: {  	_ =	shalt  }
0x63: {  	_ =	shalt  }
0x64: {  	_ =	shalt  }
0x65: {  	_ =	shalt  }
0x66: {  	_ =	shalt  }
0x67: {  	_ =	shalt  }
0x68: {  	_ =	shalt  }
0x69: {  	_ =	shalt  }
0x6a: {  	_ =	shalt  }
0x6b: {  	_ =	shalt  }
0x6c: {  	_ =	shalt  }
0x6d: {  	_ =	shalt  }
0x6e: {  	_ =	shalt  }
0x6f: {  	_ =	shalt  }
0x70: {  	_ =	shalt  }
0x71: {  	_ =	shalt  }
0x72: {  	_ =	shalt  }
0x73: {  	_ =	shalt  }
0x74: {  	_ =	shalt  }
0x75: {  	_ =	shalt  }
0x76: {  	_ =	shalt  }
0x77: {  	_ =	shalt  }
0x78: {  	_ =	shalt  }
0x79: {  	_ =	shalt  }
0x7a: {  	_ =	shalt  }
0x7b: {  	_ =	shalt  }
0x7c: {  	_ =	shalt  }
0x7d: {  	_ =	shalt  }
0x7e: {  	_ =	shalt  }
0x7f: {  	_ =	shalt  }
0x80: {  	_ =	shalt  }
0x81: {  	_ =	shalt  }
0x82: {  	_ =	shalt  }
0x83: {  	_ =	shalt  }
0x84: {  	_ =	shalt  }
0x85: {  	_ =	shalt  }
0x86: {  	_ =	shalt  }
0x87: {  	_ =	shalt  }
.Lfunc_end0:
.L_simem_size_0:
called_computation_lowered:
.L_overlay_start_0:
0x88: {  	s2 =	sld [smem:$0x3FD9]  }
0x89: {  	s3 =	sld [smem:$0x3FFE];
	_ =	sdelay $0x1  }
0x8a: {  	s1 =	srdreg.scid  }
0x8b: {  	s0 =	sand.u32 $0x1, s1  }
0x8c: {  	s17 =	sshll.u32 s0, $0xA;
	s2 =	sadd.s32 s3, s2  }
0x8d: {  	s2 =	sadd.s32 s2, s17  }
0x8e: {  	[smem:$0x3FC5] =	sst s2  }
0x8f: {  	_ = 	snop  }
0x90: {  	s2 =	sld [smem:$0x3FC9]  }
0x91: {  	s18 =	sld [smem:$0x3FC7]  }
0x92: {  	s4 =	sld [smem:$0x3FD0];
	(tm) =	ssettm $0x1  }
0x93: {  	s5 =	sld [smem:$0x3FFB];
	_ =	sdelay $0x3  }
0x94: {  	_ =	strace s5  }
0x95: {  	s5 =	sld [smem:$0x3FFC];
	_ =	sdelay $0x3  }
0x96: {  	_ =	strace s5  }
0x97: {  	s5 =	sld [smem:$0x3FFD];
	_ =	sdelay $0x3  }
0x98: {  	_ =	strace s5  }
0x99: {  	_ =	strace $0x8FFFFFFF  }
0x9a: {  	s19 =	sld [smem:$0x3FDB];
	_ =	sdelay $0x1  }
0x9b: {  	s6 =	simm.s32 $_scs_section_size  }
0x9c: {  	s7 =	simm.s32 $_size__tile_overlayer_lowered;
	s8 =	simm.s32 $_tile_overlayer_lowered  }
0x9d: {  	s22 =	simm.s32 $0x1BFF;
	s21 =	sshll.u32 s8, $0x1;
	s5 =	sadd.s32 s6, s19  }
0x9e: {  	s9 =	simm.s32 $0x0;
	s20 =	sshll.u32 s7, $0x1;
	s7 =	sadd.s32 s21, s5  }
0x9f: {  	[timem:s9], [sflag:s22] =	dma.local [hbm:s7], s20  }
0xa0: {  	_ =	swait.ge [sflag:s22], s20  }
0xa1: {  	s6 =	ssub.s32 $0x0, s20;
	[sflag:s22] =	ssyncset.done $0x0  }
0xa2: {  	[sflag:s22] =	ssyncadd.s32 s6;
	_ =	sdelay $0x1  }
0xa3: {  	s23 =	simm.s32 $0x1B8B  }
0xa4: {  	_ =	swait.ge [sflag:s23], $0x1  }
0xa5: {  	[sflag:s23] =	ssyncset.done $0x0  }
0xa6: {  	s25 =	simm.s32 $0x1B8E;
	s24 =	sld [smem:$0x3FFE];
	[sflag:s23] =	ssyncadd.s32 $0xFFFFFFFF  }
0xa7: {  	s26 =	simm.s32 $execute0_lowered;
	[smem:$0x3FD2] =	sst s25  }
0xa8: {  	s7 =	sshll.u32 s26, $0x1;
	_ =	strace $0x80000046;
	[dreg:$0x1] =	wrdreg $0xFFFFFFFF  }
0xa9: {  	s28 =	simm.s32 $_size_execute0_lowered;
	s5 =	sadd.s32 s5, s7;
	[dreg:$0x0] =	wrdreg $0x0  }
0xaa: {  	s7 =	sshll.u32 s28, $0x1;
	[dreg:$0x2] =	wrdreg s5  }
0xab: {  	[dreg:$0x3] =	wrdreg s7  }
0xac: {  	[dreg:$0x4] =	wrdreg $0xC0  }
0xad: {  	_ =	task [dreg:s9], $0x5FFFF  }
0xae: {  	[dreg:$0x1] =	wrdreg $0xFFFFFFFF  }
0xaf: {  	[dreg:$0x0] =	wrdreg $0x60  }
0xb0: {  	[dreg:$0x2] =	wrdreg s2  }
0xb1: {  	[dreg:$0x3] =	wrdreg s24  }
0xb2: {  	[dreg:$0x4] =	wrdreg s18  }
0xb3: {  	[dreg:$0x5] =	wrdreg s4  }
0xb4: {  	[dreg:$0x6] =	wrdreg $0x9  }
0xb5: {  	_ =	task.clear_ibuf [dreg:s9], $0x7FFFF;
	_ =	strace $0x90000046  }
0xb6: {  	s29 =	simm.s32 $0x9;
	_ =	strace $0x80000048  }
0xb7: {  	_ =	swait.ge [sflag:s29], $0x1  }
0xb8: {  	[sflag:s29] =	ssyncadd.s32 $0xFFFFFFFF  }
0xb9: {  	_ =	strace $0x90000048  }
0xba: {  	_ =	sfence  }
0xbb: {  	s30 =	sld [smem:$0x0];
	_ =	sdelay $0x2  }
0xbc: {  	s31 =	sshll.u32 s1, $0xD;
	s1 =	sshrl.u32 s1, $0x2  }
0xbd: {  	s3 =	sand.u32 $0x4000, s31;
	s1 =	sadd.s32 s1, s30  }
0xbe: {  	s0 =	sor.u32 s3, s0;
	s1 =	sshll.u32 s1, $0x11  }
0xbf: {  	s0 =	sor.u32 s1, s0  }
0xc0: {  	s0 =	sadd.s32 $0x8F2B, s0  }
0xc1: {  	[sflag:s0] =	ssyncadd.remote.s32 $0x1  }
0xc2: {  	_ =	sfence.sel $0xFFFF  }
0xc3: {  	[dreg:$0x0] =	wrdreg $0xFFFFFFFF;
	(pc) =	sbr.abs _section_cstart, $3  }
0xc4: {  	[dreg:$0x1] =	wrdreg $0xFFFFFFFF  }
0xc5: {  	_ =	task.clear_ibuf [dreg:s9], $0x2FFFF;
	_ =	strace $0x9FFFFFFF  }
0xc6: {  	(tm) =	ssettm $0x7FFFFFFF  }
0xc7: {  	_ =	shalt  }
tec
execute0_lowered:
.L_overlay_start_1:
0x0: {  	(tag) =	ssettag $0x1  }
0x1: {  	s0 =	srdreg.scid  }
0x2: {  	s1 =	stileid.u32;
	s2 =	rddreg [dreg:$0x0];
	v0 =	vimm.s32 $0xEFCDAB89;
	v1 =	vimm.s32 $0x67452301  }
0x3: {  	s6 =	rddreg [dreg:$0x1];
	v4 =	vimm.s32 $0x54761032;
	s0 =	sand.u32 $0x1, s0;
	s1 =	sshll.u32 s1, $0x1;
	v0 =	vunpack.c.l.s4.s8 v0;
	v1 =	vunpack.c.l.s4.s8 v1  }
0x4: {  	s3 =	rddreg [dreg:$0x3];
	v5 =	vimm.s32 $0xBA98FEDC;
	v6 =	vimm.s32 $0x32107654;
	v7 =	vimm.s32 $0xFEDCBA98;
	s13 =	simm.s32 $0x5;
	s1 =	sor.u32 s0, s1  }
0x5: {  	v8 =	vimm.s32 $0x76543210;
	s14 =	simm.s32 $0x3;
	s15 =	simm.s32 $0x1;
	s4 =	smul.u32 $0x50, s1;
	v2 =	vunpack.c.0.s8.s32 v0;
	v3 =	vunpack.c.0.s8.s32 v1  }
0x6: {  	s17 =	simm.s32 $0x4;
	s18 =	simm.s32 $0x0;
	v4 =	vunpack.c.l.s4.s8 v4;
	v5 =	vunpack.c.l.s4.s8 v5;
	v6 =	vunpack.c.l.s4.s8 v6;
	s0 =	ssub.s32 $0x2, s0  }
0x7: {  	s6 =	sadd.s32 $0x400, s6;
	v7 =	vunpack.c.l.s4.s8 v7;
	s9 =	sshrl.u32 s0, $0x1;
	s5 =	sadd.s32 $0x50, s4;
	v2 =	vcombine.low v3, v2;
	v3 =	vimm.s32 $0xDCFE98BA  }
0x8: {  	v8 =	vunpack.c.l.s4.s8 v8;
	v4 =	vunpack.c.0.s8.s32 v4;
	s0 =	ssub.s32 s0, s9;
	s4 =	sshrl.u32 s4, $0x5;
	s8 =	sshrl.u32 s5, $0x5;
	v3 =	vunpack.c.l.s4.s8 v3  }
.Ltmp0:
0x9: {  	v10 =	vunpack.c.0.s8.s32 v5;
	v6 =	vunpack.c.0.s8.s32 v6;
	s10 =	smax.u32 s0, $0x1;
	v1 =	vmov s8;
	s8 =	ssub.s32 s8, s4;
	(pc) =	sbr.rel .LBB2_1-.Ltmp0, $4  }
0xa: {  	v7 =	vunpack.c.0.s8.s32 v7;
	v8 =	vunpack.c.0.s8.s32 v8;
	s5 =	simm.s32 $0x0;
	s7 =	sshll.u32 s4, $0xB;
	v9 =	vunpack.c.0.s8.s32 v3;
	p2 =	slt.s32 s8, $0x1  }
0xb: {  	v5 =	vlaneseq.u32;
	v6 =	vcombine.low v6, v10;
	v0 =	vmov s4;
	[smem:$0x7FF] =	sst s5;
	s7 =	sadd.s32 s2, s7;
	s0 =	simm.s32 @!p2 $0x0  }
0xc: {  	_ =	strace $0x80000047;
	s9 =	sadd.s32 $0x1000, s7;
	v3 =	vimm.s32 $0x51;
	v4 =	vcombine.low v4, v9;
	v9 =	vand.u32 $0xF, v7;
	s0 =	simm.s32 @p2 $0x1  }
0xd: {  	p0 =	sne.s32 s8, $0x3;
	p1 =	sgt.s32 s8, $0x0;
	v7 =	vadd.s32 $0x1, v5;
	v8 =	vcombine.low v9, v8;
	[smem:$0x7FD] =	sst s0;
	v9 =	vimm.s32 $0x0  }
.LBB2_20:
0xe: {  	[sflag:s17] =	ssyncadd.s32 $0xFFFFC000  }
.LBB2_21:
0xf: {  	s18 =	sadd.s32 $0x1, s18  }
0x10: {  	p2 =	sne.s32 s18, s10  }
.Ltmp1:
0x11: {  	_ = 	snop;
	(pc) =	sbr.rel @!p2 .LBB2_22-.Ltmp1, $1  }
0x12: {  	_ =	sdelay $0x3  }
.LBB2_1:
0x13: {  	[tilespmem:s5], [sflag:$0x1] =	stream.linear.gather [hbm4b:s7+s5], $0x8000, $0x38;
	[tilespmem:$0xE600] =	vst v63  }
0x14: {  	s0 =	simm.s32 @!p0 $0x0;
	s2 =	simm.s32 @!p0 $0x8000  }
0x15: {  	[tilespmem:s2], [sflag:$0x2] =	stream.linear.gather @!p0 [hbm4b:s9+s0], $0x4000, $0x38;
	[tilespmem:$0xE600] =	vst v63  }
0x16: {  	s30 =	simm.s32 $0xC000  }
0x17: {  	[tilespmem:s30], [sflag:$0x3] =	stream.linear.gather [hbm4b:s6+s5], $0xFA0, $0x38;
	[tilespmem:$0xE600] =	vst v63  }
0x18: {  	[tilespmem:$0xD3E0] =	vst v3  }
.Ltmp2:
0x19: {  	s31 =	rddreg [dreg:$0x2];
	s1 =	simm.s32 $0xD000;
	[tilespmem:$0xD3F0] =	vst v3;
	(pc) =	sbr.rel .LBB2_2-.Ltmp2, $4  }
0x1a: {  	[tilespmem:s1], [sflag:$0x5] =	stream.linear.gather [hbm4b:s31+s5], $0x3E8, $0x38;
	[tilespmem:$0xE600] =	vst v63  }
0x1b: {  	_ =	swait.ge [sflag:s13], $0x3E8  }
0x1c: {  	[sflag:s13] =	ssyncset.done $0x0  }
0x1d: {  	v10 =	vimm.s32 $0x0;
	s19 =	simm.s32 $0x0;
	[sflag:s13] =	ssyncadd.s32 $0xFFFFFC18  }
.LBB2_4:
0x1e: {  	s19 =	sadd.s32 $0x1, s19  }
0x1f: {  	p3 =	sne.s32 s19, $0x40  }
.Ltmp3:
0x20: {  	_ = 	snop;
	(pc) =	sbr.rel @!p3 .LBB2_5-.Ltmp3, $1  }
0x21: {  	_ =	sdelay $0x3  }
.LBB2_2:
0x22: {  	s20 =	sshll.u32 s19, $0x4  }
0x23: {  	v11 =	vld [tilespmem:s20+$0xD000];
	_ =	sdelay $0x4  }
0x24: {  	vm0 =	vge.s32 v11, v0;
	vm1 =	vlt.s32 v11, v1  }
0x25: {  	vm0 =	vmand vm0, vm1  }
0x26: {  	v12 =	vnsel vm0, $0x0, v7  }
0x27: {  	v13 =	vperm.xlane v12, v2;
	_ =	sdelay $0x1  }
0x28: {  	vm0 =	vgt.s32 v12, v13  }
0x29: {  	v13 =	vsel vm0, v12, v13  }
0x2a: {  	v14 =	vperm.xlane v13, v4;
	_ =	sdelay $0x1  }
0x2b: {  	vm0 =	vgt.s32 v13, v14  }
0x2c: {  	v13 =	vsel vm0, v13, v14  }
0x2d: {  	v14 =	vperm.xlane v13, v6;
	_ =	sdelay $0x1  }
0x2e: {  	vm0 =	vgt.s32 v13, v14  }
0x2f: {  	v13 =	vsel vm0, v13, v14  }
0x30: {  	v14 =	vperm.xlane v13, v8;
	_ =	sdelay $0x1  }
0x31: {  	vm0 =	vgt.s32 v13, v14  }
0x32: {  	v13 =	vsel vm0, v13, v14  }
0x33: {  	(v2sf) =	vpush v13, $0x0;
	_ =	sdelay $0xe  }
0x34: {  	s0 =	spop (v2sf)  }
0x35: {  	p3 =	seq.s32 s0, $0x0  }
.Ltmp4:
0x36: {  	_ = 	snop;
	(pc) =	sbr.rel @p3 .LBB2_4-.Ltmp4, $1  }
0x37: {  	_ =	sdelay $0x3  }
.LBB2_3:
0x38: {  	s0 =	sadd.s32 $0xFFFFFFFF, s0  }
0x39: {  	v13 =	vmov s0  }
0x3a: {  	v14 =	vadd.s32 $0x10, v13  }
0x3b: {  	v14 =	vperm.xlane v11, v14;
	_ =	sdelay $0x1  }
0x3c: {  	(v2sf) =	vpush v14, $0x0;
	_ =	sdelay $0x3  }
0x3d: {  	vm0 =	veq.s32 v13, v5  }
0x3e: {  	v12 =	vsel vm0, $0x0, v12  }
0x3f: {  	v13 =	vperm.xlane v12, v2;
	_ =	sdelay $0x1  }
0x40: {  	vm0 =	vgt.s32 v12, v13  }
0x41: {  	v13 =	vsel vm0, v12, v13  }
0x42: {  	v14 =	vperm.xlane v13, v4;
	_ =	sdelay $0x1  }
0x43: {  	vm0 =	vgt.s32 v13, v14  }
0x44: {  	v13 =	vsel vm0, v13, v14  }
0x45: {  	v15 =	vperm.xlane v13, v6  }
0x46: {  	s2 =	spop (v2sf)  }
0x47: {  	vm0 =	vgt.s32 v13, v15;
	s2 =	ssub.s32 s2, s4  }
0x48: {  	v13 =	vsel vm0, v13, v15;
	v14 =	vmov s2  }
0x49: {  	v15 =	vperm.xlane v13, v8;
	v16 =	vadd.s32 $0x10, v14  }
0x4a: {  	v16 =	vperm.xlane v10, v16  }
0x4b: {  	vm0 =	vgt.s32 v13, v15  }
0x4c: {  	v13 =	vsel vm0, v13, v15;
	(v2sf) =	vpush v16, $0x0  }
0x4d: {  	(v2sf) =	vpush v13, $0x0;
	_ =	sdelay $0xd  }
0x4e: {  	s21 =	sshrl.u32 s2, $0x2;
	s22 =	spop (v2sf)  }
0x4f: {  	s29 =	sadd.s32 s20, s0;
	s21 =	smul.u32 $0x4800, s21;
	s0 =	spop (v2sf)  }
0x50: {  	s2 =	sshll.u32 s2, $0x7;
	s23 =	sshll.u32 s22, $0x2;
	p3 =	sgt.s32 s0, $0x0  }
.Ltmp5:
0x51: {  	s21 =	sshra.s32 s21, $0x2;
	s23 =	sand.u32 $0xFFFFFE00, s23;
	(pc) =	sbr.rel @p3 .LBB2_3-.Ltmp5, $4  }
0x52: {  	s30 =	sand.u32 $0x180, s2;
	s21 =	sadd.s32 s23, s21  }
0x53: {  	vm15 =	veq.s32 v14, v5;
	s31 =	sand.u32 $0x7F, s22;
	s21 =	sor.u32 s30, s21  }
0x54: {  	v14 =	vsel vm15, $0x1, v9;
	v13 =	vmov s29;
	s2 =	sor.u32 s31, s21  }
0x55: {  	v10 =	vadd.s32 v14, v10;
	[tilespmem:s2+$0xD400] =	vst v13  }
.Ltmp6:
0x56: {  	_ = 	snop;
	(pc) =	sbr.rel .LBB2_4-.Ltmp6, $1  }
0x57: {  	_ =	sdelay $0x3  }
.LBB2_5:
0x58: {  	_ =	swait.ge [sflag:s14], $0xFA0  }
.Ltmp7:
0x59: {  	[sflag:s14] =	ssyncset.done $0x0;
	(pc) =	sbr.rel @p0 .LBB2_7-.Ltmp7, $4  }
0x5a: {  	[sflag:s14] =	ssyncadd.s32 $0xFFFFF060  }
0x5b: {  	_ =	swait.ge [sflag:s15], $0x8000  }
0x5c: {  	[sflag:s15] =	ssyncset.done $0x0  }
0x5d: {  	[sflag:s15] =	ssyncadd.s32 $0xFFFF8000  }
.Ltmp8:
0x5e: {  	(pc) =	sbr.rel .LBB2_8-.Ltmp8, $4  }
0x5f: {  	s0 =	simm.s32 $0x2  }
0x60: {  	_ =	swait.ge [sflag:s0], $0x4000  }
0x61: {  	[sflag:s0] =	ssyncset.done $0x0  }
0x62: {  	[sflag:s0] =	ssyncadd.s32 $0xFFFFC000  }
.LBB2_7:
0x63: {  	s0 =	sld [smem:$0x7FD];
	_ =	sdelay $0x2  }
0x64: {  	p2 =	seq.s32 s0, $0x1  }
.Ltmp9:
0x65: {  	_ = 	snop;
	(pc) =	sbr.rel @p2 .LBB2_21-.Ltmp9, $1  }
0x66: {  	_ =	sdelay $0x3  }
.LBB2_8:
.Ltmp10:
0x67: {  	(pc) =	sbr.rel .LBB2_9-.Ltmp10, $2  }
0x68: {  	_ =	sdelay $0x2  }
0x69: {  	s19 =	simm.s32 $0x0  }
.LBB2_10:
0x6a: {  	s20 =	sshll.u32 s19, $0x10  }
.LBB2_16:
0x6b: {  	s0 =	sadd.s32 s4, s19;
	s19 =	sadd.s32 $0x1, s19  }
0x6c: {  	p2 =	slt.s32 s19, s8  }
.Ltmp11:
0x6d: {  	_ = 	snop;
	(pc) =	sbr.rel @!p2 .LBB2_17-.Ltmp11, $4  }
0x6e: {  	_ = 	snop  }
0x6f: {  	s0 =	sshll.u32 s0, $0xB  }
0x70: {  	s1 =	sshra.s32 s20, $0x2;
	s0 =	sadd.s32 s3, s0  }
0x71: {  	[hbm4b:s0+s5] =	stream.linear.scatter [tilespmem:s1], [sflag:$0x4], $0x4000, $0x38;
	[tilespmem:$0xE600] =	vst v63  }
.LBB2_9:
0x72: {  	v11 =	vmov s19  }
0x73: {  	v11 =	vperm.xlane v10, v11;
	_ =	sdelay $0x1  }
0x74: {  	(v2sf) =	vpush v11, $0x0;
	_ =	sdelay $0xe  }
0x75: {  	s23 =	spop (v2sf)  }
0x76: {  	p3 =	sgt.s32 s23, $0x0  }
.Ltmp12:
0x77: {  	_ = 	snop;
	(pc) =	sbr.rel @!p3 .LBB2_10-.Ltmp12, $1  }
0x78: {  	_ =	sdelay $0x3  }
0x79: {  	s0 =	sshrl.u32 s19, $0x2  }
0x7a: {  	s0 =	smul.u32 $0x4800, s0  }
0x7b: {  	s2 =	sshll.u32 s19, $0x7;
	p4 =	sne.s32 s23, $0x1  }
.Ltmp13:
0x7c: {  	s2 =	sand.u32 $0x180, s2;
	s0 =	sshra.s32 s0, $0x2;
	(pc) =	sbr.rel @!p4 .LBB2_12-.Ltmp13, $4  }
0x7d: {  	s20 =	sshll.u32 s19, $0x10;
	s0 =	sor.u32 s2, s0  }
0x7e: {  	s31 =	simm.s32 $0x0;
	p3 =	por $0x0, $0x0;
	s0 =	sadd.s32 $0xD400, s0  }
0x7f: {  	s21 =	sshra.s32 s20, $0x2;
	s22 =	sand.u32 $0x7F, s31;
	[dreg:$0x5] =	wrdreg s0  }
0x80: {  	s28 =	sand.u32 $0xFFFFFE00, s31;
	s0 =	simm.s32 $0x1;
	s26 =	rddreg [dreg:$0x5]  }
0x81: {  	s2 =	sadd.s32 s28, s26  }
0x82: {  	s2 =	sadd.s32 s22, s2  }
0x83: {  	v11 =	vld [tilespmem:s2+$0x0];
	_ =	sdelay $0x4  }
0x84: {  	(v2sf) =	vpush v11, $0x0;
	_ =	sdelay $0xe  }
0x85: {  	s26 =	spop (v2sf)  }
0x86: {  	s2 =	sshll.u32 s26, $0x4  }
0x87: {  	s2 =	sshra.s32 s2, $0x2  }
0x88: {  	v11 =	vld [tilespmem:s2+$0xC000];
	_ =	sdelay $0x4  }
0x89: {  	(v2sf) =	vpush v11, $0x1  }
0x8a: {  	(v2sf) =	vpush v11, $0x3  }
0x8b: {  	(v2sf) =	vpush v11, $0x0;
	_ =	sdelay $0x9  }
0x8c: {  	p4 =	sne.s32 s23, $0x2  }
.Ltmp14:
0x8d: {  	_ = 	snop;
	(pc) =	sbr.rel @!p4 .LBB2_15-.Ltmp14, $4  }
0x8e: {  	s24 =	simm.s32 $0x2  }
0x8f: {  	s25 =	simm.s32 $0x4;
	p3 =	por $0x1, $0x1;
	s30 =	spop (v2sf)  }
0x90: {  	s22 =	sand.u32 $0x7F, s0;
	s28 =	sand.u32 $0xFFFFFE00, s25;
	s31 =	spop (v2sf)  }
0x91: {  	s26 =	rddreg [dreg:$0x5];
	(v2sf) =	vpush v11, $0x2;
	s0 =	sadd.s32 s31, s30;
	s29 =	spop (v2sf)  }
.LBB2_14:
0x92: {  	_ = 	snop  }
0x93: {  	s2 =	sadd.s32 s28, s26;
	s28 =	sand.u32 $0x1, s0  }
0x94: {  	p4 =	slt.s32 s0, $0x1;
	p5 =	seq.s32 s28, $0x1  }
0x95: {  	s16 =	sshrl.u32 s0, $0x1F;
	s26 =	sadd.s32 s22, s2;
	p4 =	por !p4, !p5  }
0x96: {  	s0 =	sadd.s32 s16, s0;
	s2 =	simm.s32 $0x1;
	p5 =	por !p4, !p4  }
0x97: {  	s0 =	sshra.s32 s0, $0x1;
	s2 =	simm.s32 @!p5 $0x0  }
0x98: {  	s0 =	ssub.s32 s0, s2  }
0x99: {  	p5 =	sgt.s32 s0, $0x4;
	s2 =	smov.u32 s0  }
0x9a: {  	s2 =	simm.s32 @!p5 $0x4  }
0x9b: {  	s2 =	smin.u32 s2, $0x74  }
0x9c: {  	s28 =	sadd.s32 $0xFFFFFFFC, s2  }
0x9d: {  	s0 =	ssub.s32 s28, s0  }
0x9e: {  	v11 =	vadd.s32 s0, v5  }
0x9f: {  	v11 =	vcvt.s32.f32 v11  }
0xa0: {  	s30 =	spop (v2sf)  }
0xa1: {  	v11 =	vmul.f32 v11, v11;
	s0 =	sadd.s32 s30, s29  }
0xa2: {  	s29 =	sand.u32 $0x1, s0  }
0xa3: {  	s31 =	sshrl.u32 s0, $0x1F;
	p2 =	slt.s32 s0, $0x1;
	v11 =	vsub.f32 $0.0e+00, v11;
	p6 =	seq.s32 s29, $0x1  }
0xa4: {  	s2 =	sadd.s32 s31, s0;
	p5 =	por !p2, !p6  }
0xa5: {  	s1 =	sshra.s32 s2, $0x1;
	s2 =	simm.s32 $0x1;
	v11 =	vmul.f32 $1.442695020e+00, v11;
	p5 =	por !p5, !p5  }
0xa6: {  	s2 =	simm.s32 @!p5 $0x0  }
0xa7: {  	(erf) = vpow2.f32 v11;
	s29 =	ssub.s32 s1, s2  }
0xa8: {  	p5 =	sgt.s32 s29, $0x4;
	s0 =	smov.u32 s29  }
0xa9: {  	s0 =	simm.s32 @!p5 $0x4  }
0xaa: {  	p6 =	sgt.s32 s29, $0x3;
	s0 =	smin.u32 s0, $0x83  }
0xab: {  	p2 =	sgt.s32 s29, $0x2;
	s2 =	smov.u32 s29;
	s0 =	sshll.u32 s0, $0x7  }
0xac: {  	s30 =	smov.u32 s29;
	s12 =	sshra.s32 s29, $0x1F;
	s0 =	sadd.s32 s0, s21  }
0xad: {  	s2 =	simm.s32 @!p6 $0x3;
	s30 =	simm.s32 @!p2 $0x2;
	s1 =	sadd.s32 s28, s0  }
0xae: {  	p2 =	sgt.s32 s29, $0x0;
	s2 =	smin.u32 s2, $0x82;
	s30 =	smin.u32 s30, $0x81;
	v11 =	vld [tilespmem:s1+$0xFFFFFE00]  }
0xaf: {  	s12 =	sor.u32 s12, s29;
	s2 =	sshll.u32 s2, $0x7;
	s11 =	sshll.u32 s30, $0x7  }
0xb0: {  	s31 =	sadd.s32 s2, s21;
	s2 =	sadd.s32 s11, s21;
	s11 =	smov.u32 s29;
	v12 =	vpop (erf)  }
0xb1: {  	s11 =	simm.s32 @!p2 $0x0;
	p2 =	slt.s32 s12, $0x7E;
	v13 =	vmul.f32 $1.125351760e-07, v12  }
0xb2: {  	s11 =	smin.u32 s11, $0x7F;
	s12 =	simm.s32 @!p2 $0x7E  }
0xb3: {  	s11 =	sshll.u32 s11, $0x7;
	s16 =	sshll.u32 s12, $0x9;
	v11 =	vmax.f32 v11, v13  }
0xb4: {  	s30 =	sadd.s32 s11, s21;
	s11 =	sshra.s32 s16, $0x2;
	s16 =	sadd.s32 s28, s31;
	[tilespmem:s1+$0xFFFFFE00] =	vst v11  }
0xb5: {  	v11 =	vld [tilespmem:s16+$0xFFFFFE80];
	_ =	sdelay $0x2  }
0xb6: {  	v14 =	vmul.f32 $1.234098020e-04, v12;
	_ =	sdelay $0x1  }
0xb7: {  	v11 =	vmax.f32 v11, v14  }
0xb8: {  	s2 =	sadd.s32 s28, s2;
	[tilespmem:s16+$0xFFFFFE80] =	vst v11  }
0xb9: {  	v11 =	vld [tilespmem:s2+$0xFFFFFF00]  }
0xba: {  	p5 =	sgt.s32 s29, $0x1;
	s0 =	smov.u32 s29  }
0xbb: {  	s0 =	simm.s32 @!p5 $0x1  }
0xbc: {  	s0 =	smin.u32 s0, $0x80;
	v15 =	vmul.f32 $1.831563930e-02, v12  }
0xbd: {  	s0 =	sshll.u32 s0, $0x7  }
0xbe: {  	s0 =	sadd.s32 s0, s21;
	v11 =	vmax.f32 v11, v15  }
0xbf: {  	s0 =	sadd.s32 s28, s0;
	[tilespmem:s2+$0xFFFFFF00] =	vst v11  }
0xc0: {  	v11 =	vld [tilespmem:s0+$0xFFFFFF80];
	_ =	sdelay $0x2  }
0xc1: {  	v16 =	vmul.f32 $3.678794500e-01, v12;
	_ =	sdelay $0x1  }
0xc2: {  	v11 =	vmax.f32 v11, v16  }
0xc3: {  	s30 =	sadd.s32 s28, s30;
	[tilespmem:s0+$0xFFFFFF80] =	vst v11  }
0xc4: {  	v11 =	vld [tilespmem:s30+$0x0];
	_ =	sdelay $0x4  }
0xc5: {  	s31 =	sadd.s32 s11, s21;
	v11 =	vmax.f32 v11, v12  }
0xc6: {  	p2 =	sgt.s32 s29, $0xFFFFFFFE;
	s12 =	smov.u32 s29;
	s31 =	sadd.s32 s28, s31;
	[tilespmem:s30+$0x0] =	vst v11  }
0xc7: {  	s12 =	simm.s32 @!p2 $0xFFFFFFFE;
	v11 =	vld [tilespmem:s31+$0x80]  }
0xc8: {  	p2 =	slt.s32 s12, $0x7D  }
0xc9: {  	s12 =	simm.s32 @!p2 $0x7D  }
0xca: {  	s12 =	sshll.u32 s12, $0x9  }
0xcb: {  	s1 =	sshra.s32 s12, $0x2  }
0xcc: {  	s1 =	sadd.s32 s1, s21;
	v11 =	vmax.f32 v11, v16  }
0xcd: {  	p5 =	sgt.s32 s29, $0xFFFFFFFD;
	s11 =	smov.u32 s29;
	s1 =	sadd.s32 s28, s1;
	[tilespmem:s31+$0x80] =	vst v11  }
0xce: {  	s11 =	simm.s32 @!p5 $0xFFFFFFFD;
	p2 =	sgt.s32 s29, $0xFFFFFFFC;
	v11 =	vld [tilespmem:s1+$0x100]  }
0xcf: {  	p5 =	slt.s32 s11, $0x7C;
	s29 =	simm.s32 @!p2 $0xFFFFFFFC  }
0xd0: {  	s11 =	simm.s32 @!p5 $0x7C;
	p2 =	slt.s32 s29, $0x7B  }
0xd1: {  	s11 =	sshll.u32 s11, $0x9;
	s29 =	simm.s32 @!p2 $0x7B  }
0xd2: {  	s11 =	sshra.s32 s11, $0x2;
	s12 =	sshll.u32 s29, $0x9  }
0xd3: {  	s11 =	sadd.s32 s11, s21;
	s12 =	sshra.s32 s12, $0x2;
	v11 =	vmax.f32 v11, v15  }
0xd4: {  	s29 =	sadd.s32 s12, s21;
	s12 =	sadd.s32 s28, s11;
	[tilespmem:s1+$0x100] =	vst v11  }
0xd5: {  	v11 =	vld [tilespmem:s12+$0x180];
	_ =	sdelay $0x4  }
0xd6: {  	v11 =	vmax.f32 v11, v14  }
0xd7: {  	s16 =	sadd.s32 s28, s29;
	[tilespmem:s12+$0x180] =	vst v11  }
0xd8: {  	v11 =	vld [tilespmem:s16+$0x200];
	_ =	sdelay $0x4  }
0xd9: {  	v11 =	vmax.f32 v11, v13  }
0xda: {  	[tilespmem:s16+$0x200] =	vst v11  }
0xdb: {  	v11 =	vld [tilespmem:s26+$0x0];
	_ =	sdelay $0x4  }
0xdc: {  	(v2sf) =	vpush v11, $0x0;
	_ =	sdelay $0xe  }
0xdd: {  	s26 =	spop (v2sf)  }
0xde: {  	s0 =	sshll.u32 s26, $0x4  }
0xdf: {  	s0 =	sshra.s32 s0, $0x2  }
0xe0: {  	v11 =	vld [tilespmem:s0+$0xC000];
	_ =	sdelay $0x4  }
0xe1: {  	(v2sf) =	vpush v11, $0x1  }
0xe2: {  	(v2sf) =	vpush v11, $0x3  }
0xe3: {  	(v2sf) =	vpush v11, $0x0;
	_ =	sdelay $0x8  }
0xe4: {  	s22 =	sand.u32 $0x7F, s24;
	s24 =	sadd.s32 $0x1, s24  }
0xe5: {  	p4 =	sne.s32 s23, s24  }
.Ltmp15:
0xe6: {  	_ = 	snop;
	(pc) =	sbr.rel @p4 .LBB2_14-.Ltmp15, $4  }
0xe7: {  	_ = 	snop  }
0xe8: {  	s25 =	sadd.s32 $0x4, s25;
	s30 =	spop (v2sf)  }
0xe9: {  	s28 =	sand.u32 $0xFFFFFE00, s25;
	s31 =	spop (v2sf)  }
0xea: {  	s26 =	rddreg [dreg:$0x5];
	(v2sf) =	vpush v11, $0x2;
	s0 =	sadd.s32 s31, s30;
	s29 =	spop (v2sf)  }
.LBB2_15:
0xeb: {  	_ = 	snop  }
0xec: {  	s1 =	sand.u32 @p3 $0x1, s0  }
0xed: {  	p2 =	slt.s32 @p3 s0, $0x1;
	p4 =	seq.s32 @p3 s1, $0x1  }
0xee: {  	p2 =	por @p3 !p2, !p4  }
0xef: {  	s1 =	sshrl.u32 @p3 s0, $0x1F;
	p2 =	por @p3 !p2, !p2  }
0xf0: {  	s0 =	sadd.s32 @p3 s1, s0;
	s1 =	simm.s32 $0x1;
	p2 =	por !p2, !p3  }
0xf1: {  	s0 =	sshra.s32 @p3 s0, $0x1;
	s1 =	simm.s32 @p2 $0x0  }
0xf2: {  	s0 =	ssub.s32 @p3 s0, s1  }
0xf3: {  	p2 =	sgt.s32 @p3 s0, $0x4  }
0xf4: {  	s1 =	smov.u32 s0;
	p2 =	por !p2, !p3  }
0xf5: {  	s1 =	simm.s32 @p2 $0x4  }
0xf6: {  	s1 =	smin.u32 @p3 s1, $0x74  }
0xf7: {  	s23 =	sadd.s32 @p3 $0xFFFFFFFC, s1  }
0xf8: {  	s0 =	ssub.s32 @p3 s23, s0  }
0xf9: {  	v11 =	vadd.s32 @p3 s0, v5;
	s0 =	spop @p3 (v2sf)  }
0xfa: {  	v11 =	vcvt.s32.f32 @p3 v11;
	s0 =	sadd.s32 @p3 s0, s29  }
0xfb: {  	s1 =	sand.u32 @p3 $0x1, s0  }
0xfc: {  	v11 =	vmul.f32 @p3 v11, v11;
	p2 =	slt.s32 @p3 s0, $0x1;
	p4 =	seq.s32 @p3 s1, $0x1  }
0xfd: {  	p2 =	por @p3 !p2, !p4  }
0xfe: {  	s1 =	sshrl.u32 @p3 s0, $0x1F;
	v11 =	vsub.f32 @p3 $0.0e+00, v11;
	p2 =	por @p3 !p2, !p2  }
0xff: {  	s0 =	sadd.s32 @p3 s1, s0;
	s1 =	simm.s32 $0x1;
	p2 =	por !p2, !p3  }
0x100: {  	s0 =	sshra.s32 @p3 s0, $0x1;
	v11 =	vmul.f32 @p3 $1.442695020e+00, v11;
	s1 =	simm.s32 @p2 $0x0  }
0x101: {  	s24 =	ssub.s32 @p3 s0, s1  }
0x102: {  	(erf) = vpow2.f32 @p3 v11;
	p2 =	sgt.s32 @p3 s24, $0x4  }
0x103: {  	s0 =	smov.u32 s24;
	p2 =	por !p2, !p3  }
0x104: {  	s0 =	simm.s32 @p2 $0x4  }
0x105: {  	s0 =	smin.u32 @p3 s0, $0x83  }
0x106: {  	s0 =	sshll.u32 @p3 s0, $0x7  }
0x107: {  	s0 =	sadd.s32 @p3 s0, s21  }
0x108: {  	s0 =	sadd.s32 @p3 s23, s0  }
0x109: {  	p2 =	sgt.s32 @p3 s24, $0x3;
	v11 =	vld @p3 [tilespmem:s0+$0xFFFFFE00]  }
0x10a: {  	s1 =	smov.u32 s24;
	p2 =	por !p2, !p3  }
0x10b: {  	s1 =	simm.s32 @p2 $0x3;
	v12 =	vpop @p3 (erf)  }
0x10c: {  	s1 =	smin.u32 @p3 s1, $0x82;
	v13 =	vmul.f32 @p3 $1.125351760e-07, v12  }
0x10d: {  	s1 =	sshll.u32 @p3 s1, $0x7  }
0x10e: {  	s1 =	sadd.s32 @p3 s1, s21;
	v11 =	vmax.f32 @p3 v11, v13  }
0x10f: {  	s1 =	sadd.s32 @p3 s23, s1;
	[tilespmem:s0+$0xFFFFFE00] =	vst @p3 v11  }
0x110: {  	p2 =	sgt.s32 @p3 s24, $0x2;
	v11 =	vld @p3 [tilespmem:s1+$0xFFFFFE80]  }
0x111: {  	p2 =	por !p2, !p3;
	s0 =	smov.u32 s24  }
0x112: {  	s0 =	simm.s32 @p2 $0x2  }
0x113: {  	v14 =	vmul.f32 @p3 $1.234098020e-04, v12;
	s0 =	smin.u32 @p3 s0, $0x81  }
0x114: {  	s0 =	sshll.u32 @p3 s0, $0x7  }
0x115: {  	s0 =	sadd.s32 @p3 s0, s21;
	v11 =	vmax.f32 @p3 v11, v14  }
0x116: {  	s0 =	sadd.s32 @p3 s23, s0;
	[tilespmem:s1+$0xFFFFFE80] =	vst @p3 v11  }
0x117: {  	p2 =	sgt.s32 @p3 s24, $0x1;
	v11 =	vld @p3 [tilespmem:s0+$0xFFFFFF00]  }
0x118: {  	p2 =	por !p2, !p3;
	s1 =	smov.u32 s24  }
0x119: {  	s1 =	simm.s32 @p2 $0x1  }
0x11a: {  	v15 =	vmul.f32 @p3 $1.831563930e-02, v12;
	s1 =	smin.u32 @p3 s1, $0x80  }
0x11b: {  	s1 =	sshll.u32 @p3 s1, $0x7  }
0x11c: {  	s1 =	sadd.s32 @p3 s1, s21;
	v11 =	vmax.f32 @p3 v11, v15  }
0x11d: {  	s1 =	sadd.s32 @p3 s23, s1;
	[tilespmem:s0+$0xFFFFFF00] =	vst @p3 v11  }
0x11e: {  	p2 =	sgt.s32 @p3 s24, $0x0;
	v11 =	vld @p3 [tilespmem:s1+$0xFFFFFF80]  }
0x11f: {  	p2 =	por !p2, !p3;
	s0 =	smov.u32 s24  }
0x120: {  	s0 =	simm.s32 @p2 $0x0  }
0x121: {  	v16 =	vmul.f32 @p3 $3.678794500e-01, v12;
	s0 =	smin.u32 @p3 s0, $0x7F  }
0x122: {  	s0 =	sshll.u32 @p3 s0, $0x7  }
0x123: {  	s2 =	sshra.s32 @p3 s24, $0x1F;
	s0 =	sadd.s32 @p3 s0, s21;
	v11 =	vmax.f32 @p3 v11, v16  }
0x124: {  	s2 =	sor.u32 @p3 s2, s24;
	s0 =	sadd.s32 @p3 s23, s0;
	[tilespmem:s1+$0xFFFFFF80] =	vst @p3 v11  }
0x125: {  	p2 =	slt.s32 @p3 s2, $0x7E;
	v11 =	vld @p3 [tilespmem:s0+$0x0]  }
0x126: {  	p2 =	por !p2, !p3  }
0x127: {  	s2 =	simm.s32 @p2 $0x7E  }
0x128: {  	s1 =	sshll.u32 @p3 s2, $0x9  }
0x129: {  	p2 =	sgt.s32 @p3 s24, $0xFFFFFFFE;
	s1 =	sshra.s32 @p3 s1, $0x2  }
0x12a: {  	p2 =	por !p2, !p3;
	s2 =	smov.u32 s24;
	s1 =	sadd.s32 @p3 s1, s21;
	v11 =	vmax.f32 @p3 v11, v12  }
0x12b: {  	s2 =	simm.s32 @p2 $0xFFFFFFFE;
	s1 =	sadd.s32 @p3 s23, s1;
	[tilespmem:s0+$0x0] =	vst @p3 v11  }
0x12c: {  	p2 =	slt.s32 @p3 s2, $0x7D;
	v11 =	vld @p3 [tilespmem:s1+$0x80]  }
0x12d: {  	p2 =	por !p2, !p3  }
0x12e: {  	s2 =	simm.s32 @p2 $0x7D  }
0x12f: {  	s0 =	sshll.u32 @p3 s2, $0x9  }
0x130: {  	p2 =	sgt.s32 @p3 s24, $0xFFFFFFFD;
	s0 =	sshra.s32 @p3 s0, $0x2  }
0x131: {  	p2 =	por !p2, !p3;
	s2 =	smov.u32 s24;
	s0 =	sadd.s32 @p3 s0, s21;
	v11 =	vmax.f32 @p3 v11, v16  }
0x132: {  	s2 =	simm.s32 @p2 $0xFFFFFFFD;
	s0 =	sadd.s32 @p3 s23, s0;
	[tilespmem:s1+$0x80] =	vst @p3 v11  }
0x133: {  	p2 =	slt.s32 @p3 s2, $0x7C;
	v11 =	vld @p3 [tilespmem:s0+$0x100]  }
0x134: {  	p2 =	por !p2, !p3  }
0x135: {  	s2 =	simm.s32 @p2 $0x7C  }
0x136: {  	s1 =	sshll.u32 @p3 s2, $0x9  }
0x137: {  	p2 =	sgt.s32 @p3 s24, $0xFFFFFFFC;
	s1 =	sshra.s32 @p3 s1, $0x2  }
0x138: {  	p2 =	por !p2, !p3;
	s1 =	sadd.s32 @p3 s1, s21;
	v11 =	vmax.f32 @p3 v11, v15  }
0x139: {  	s24 =	simm.s32 @p2 $0xFFFFFFFC;
	s1 =	sadd.s32 @p3 s23, s1;
	[tilespmem:s0+$0x100] =	vst @p3 v11  }
0x13a: {  	p2 =	slt.s32 @p3 s24, $0x7B;
	v11 =	vld @p3 [tilespmem:s1+$0x180]  }
0x13b: {  	p2 =	por !p2, !p3  }
0x13c: {  	s24 =	simm.s32 @p2 $0x7B  }
0x13d: {  	s0 =	sshll.u32 @p3 s24, $0x9  }
0x13e: {  	s0 =	sshra.s32 @p3 s0, $0x2  }
0x13f: {  	s0 =	sadd.s32 @p3 s0, s21;
	v11 =	vmax.f32 @p3 v11, v14  }
0x140: {  	s0 =	sadd.s32 @p3 s23, s0;
	[tilespmem:s1+$0x180] =	vst @p3 v11  }
0x141: {  	v11 =	vld @p3 [tilespmem:s0+$0x200];
	_ =	sdelay $0x4  }
0x142: {  	s31 =	sadd.s32 s28, s26;
	v11 =	vmax.f32 @p3 v11, v13  }
0x143: {  	s1 =	sadd.s32 s22, s31;
	[tilespmem:s0+$0x200] =	vst @p3 v11  }
0x144: {  	v11 =	vld [tilespmem:s1+$0x0];
	_ =	sdelay $0x4  }
0x145: {  	(v2sf) =	vpush v11, $0x0;
	_ =	sdelay $0xe  }
0x146: {  	s1 =	spop (v2sf)  }
0x147: {  	s0 =	sshll.u32 s1, $0x4  }
0x148: {  	s0 =	sshra.s32 s0, $0x2  }
0x149: {  	v11 =	vld [tilespmem:s0+$0xC000];
	_ =	sdelay $0x4  }
0x14a: {  	(v2sf) =	vpush v11, $0x1  }
0x14b: {  	(v2sf) =	vpush v11, $0x3;
	_ =	sdelay $0xd  }
0x14c: {  	(v2sf) =	vpush v11, $0x0;
	s2 =	spop (v2sf)  }
0x14d: {  	(v2sf) =	vpush v11, $0x2;
	s11 =	spop (v2sf)  }
0x14e: {  	s0 =	sadd.s32 s11, s2  }
0x14f: {  	s1 =	sand.u32 $0x1, s0  }
0x150: {  	p3 =	slt.s32 s0, $0x1;
	p4 =	seq.s32 s1, $0x1  }
0x151: {  	s12 =	sshrl.u32 s0, $0x1F;
	p2 =	por !p3, !p4  }
0x152: {  	s0 =	sadd.s32 s12, s0;
	s1 =	simm.s32 $0x1;
	p2 =	por !p2, !p2  }
0x153: {  	s0 =	sshra.s32 s0, $0x1;
	s1 =	simm.s32 @!p2 $0x0  }
0x154: {  	s0 =	ssub.s32 s0, s1  }
0x155: {  	p2 =	sgt.s32 s0, $0x4;
	s1 =	smov.u32 s0  }
0x156: {  	s1 =	simm.s32 @!p2 $0x4  }
0x157: {  	s1 =	smin.u32 s1, $0x74  }
0x158: {  	s16 =	sadd.s32 $0xFFFFFFFC, s1  }
0x159: {  	s0 =	ssub.s32 s16, s0  }
0x15a: {  	v11 =	vadd.s32 s0, v5  }
0x15b: {  	s24 =	spop (v2sf);
	v11 =	vcvt.s32.f32 v11  }
0x15c: {  	s25 =	spop (v2sf)  }
0x15d: {  	s0 =	sadd.s32 s25, s24;
	v11 =	vmul.f32 v11, v11  }
0x15e: {  	s1 =	sand.u32 $0x1, s0  }
0x15f: {  	p5 =	slt.s32 s0, $0x1;
	p6 =	seq.s32 s1, $0x1;
	v11 =	vsub.f32 $0.0e+00, v11  }
0x160: {  	s26 =	sshrl.u32 s0, $0x1F;
	p2 =	por !p5, !p6  }
0x161: {  	s0 =	sadd.s32 s26, s0;
	s1 =	simm.s32 $0x1;
	p2 =	por !p2, !p2;
	v11 =	vmul.f32 $1.442695020e+00, v11  }
0x162: {  	s0 =	sshra.s32 s0, $0x1;
	s1 =	simm.s32 @!p2 $0x0  }
0x163: {  	s23 =	ssub.s32 s0, s1;
	(erf) = vpow2.f32 v11  }
0x164: {  	p2 =	sgt.s32 s23, $0x4;
	s0 =	smov.u32 s23  }
0x165: {  	s0 =	simm.s32 @!p2 $0x4  }
0x166: {  	s0 =	smin.u32 s0, $0x83  }
0x167: {  	s0 =	sshll.u32 s0, $0x7  }
0x168: {  	s0 =	sadd.s32 s0, s21  }
0x169: {  	s0 =	sadd.s32 s16, s0  }
0x16a: {  	v11 =	vld [tilespmem:s0+$0xFFFFFE00]  }
0x16b: {  	s1 =	smov.u32 s23;
	p2 =	sgt.s32 s23, $0x3  }
0x16c: {  	s1 =	simm.s32 @!p2 $0x3;
	v59 =	vpop (erf)  }
0x16d: {  	s1 =	smin.u32 s1, $0x82;
	v60 =	vmul.f32 $1.125351760e-07, v59  }
0x16e: {  	s1 =	sshll.u32 s1, $0x7  }
0x16f: {  	s1 =	sadd.s32 s1, s21;
	v11 =	vmax.f32 v11, v60  }
0x170: {  	s1 =	sadd.s32 s16, s1;
	[tilespmem:s0+$0xFFFFFE00] =	vst v11  }
0x171: {  	v11 =	vld [tilespmem:s1+$0xFFFFFE80]  }
0x172: {  	p2 =	sgt.s32 s23, $0x2;
	s0 =	smov.u32 s23  }
0x173: {  	s0 =	simm.s32 @!p2 $0x2  }
0x174: {  	v61 =	vmul.f32 $1.234098020e-04, v59;
	s0 =	smin.u32 s0, $0x81  }
0x175: {  	s0 =	sshll.u32 s0, $0x7  }
0x176: {  	s0 =	sadd.s32 s0, s21;
	v11 =	vmax.f32 v11, v61  }
0x177: {  	s0 =	sadd.s32 s16, s0;
	[tilespmem:s1+$0xFFFFFE80] =	vst v11  }
0x178: {  	v11 =	vld [tilespmem:s0+$0xFFFFFF00]  }
0x179: {  	p2 =	sgt.s32 s23, $0x1;
	s1 =	smov.u32 s23  }
0x17a: {  	s1 =	simm.s32 @!p2 $0x1  }
0x17b: {  	v62 =	vmul.f32 $1.831563930e-02, v59;
	s1 =	smin.u32 s1, $0x80  }
0x17c: {  	s1 =	sshll.u32 s1, $0x7  }
0x17d: {  	s1 =	sadd.s32 s1, s21;
	v11 =	vmax.f32 v11, v62  }
0x17e: {  	s1 =	sadd.s32 s16, s1;
	[tilespmem:s0+$0xFFFFFF00] =	vst v11  }
0x17f: {  	v11 =	vld [tilespmem:s1+$0xFFFFFF80]  }
0x180: {  	p2 =	sgt.s32 s23, $0x0;
	s0 =	smov.u32 s23  }
0x181: {  	s0 =	simm.s32 @!p2 $0x0  }
0x182: {  	v63 =	vmul.f32 $3.678794500e-01, v59;
	s0 =	smin.u32 s0, $0x7F  }
0x183: {  	s0 =	sshll.u32 s0, $0x7  }
0x184: {  	s0 =	sadd.s32 s0, s21;
	v11 =	vmax.f32 v11, v63  }
0x185: {  	s28 =	sshra.s32 s23, $0x1F;
	s0 =	sadd.s32 s16, s0;
	[tilespmem:s1+$0xFFFFFF80] =	vst v11  }
0x186: {  	s1 =	sor.u32 s28, s23;
	v11 =	vld [tilespmem:s0+$0x0]  }
0x187: {  	p2 =	slt.s32 s1, $0x7E  }
0x188: {  	s1 =	simm.s32 @!p2 $0x7E  }
0x189: {  	s1 =	sshll.u32 s1, $0x9  }
0x18a: {  	s1 =	sshra.s32 s1, $0x2  }
0x18b: {  	s1 =	sadd.s32 s1, s21;
	v11 =	vmax.f32 v11, v59  }
0x18c: {  	s2 =	smov.u32 s23;
	p2 =	sgt.s32 s23, $0xFFFFFFFE;
	s1 =	sadd.s32 s16, s1;
	[tilespmem:s0+$0x0] =	vst v11  }
0x18d: {  	s2 =	simm.s32 @!p2 $0xFFFFFFFE;
	v11 =	vld [tilespmem:s1+$0x80]  }
0x18e: {  	p2 =	slt.s32 s2, $0x7D  }
0x18f: {  	s2 =	simm.s32 @!p2 $0x7D  }
0x190: {  	s29 =	sshll.u32 s2, $0x9  }
0x191: {  	s0 =	sshra.s32 s29, $0x2  }
0x192: {  	s0 =	sadd.s32 s0, s21;
	v11 =	vmax.f32 v11, v63  }
0x193: {  	p2 =	sgt.s32 s23, $0xFFFFFFFD;
	s2 =	smov.u32 s23;
	s0 =	sadd.s32 s16, s0;
	[tilespmem:s1+$0x80] =	vst v11  }
0x194: {  	s2 =	simm.s32 @!p2 $0xFFFFFFFD;
	v11 =	vld [tilespmem:s0+$0x100]  }
0x195: {  	p2 =	slt.s32 s2, $0x7C  }
0x196: {  	s2 =	simm.s32 @!p2 $0x7C  }
0x197: {  	s30 =	sshll.u32 s2, $0x9  }
0x198: {  	s1 =	sshra.s32 s30, $0x2  }
0x199: {  	s1 =	sadd.s32 s1, s21;
	v11 =	vmax.f32 v11, v62  }
0x19a: {  	p2 =	sgt.s32 s23, $0xFFFFFFFC;
	s1 =	sadd.s32 s16, s1;
	[tilespmem:s0+$0x100] =	vst v11  }
0x19b: {  	s23 =	simm.s32 @!p2 $0xFFFFFFFC;
	v11 =	vld [tilespmem:s1+$0x180]  }
0x19c: {  	p2 =	slt.s32 s23, $0x7B  }
0x19d: {  	s23 =	simm.s32 @!p2 $0x7B  }
0x19e: {  	s31 =	sshll.u32 s23, $0x9  }
0x19f: {  	s0 =	sshra.s32 s31, $0x2  }
0x1a0: {  	s0 =	sadd.s32 s0, s21;
	v11 =	vmax.f32 v11, v61  }
0x1a1: {  	s0 =	sadd.s32 s16, s0;
	[tilespmem:s1+$0x180] =	vst v11  }
0x1a2: {  	v11 =	vld [tilespmem:s0+$0x200];
	_ =	sdelay $0x1  }
.Ltmp16:
0x1a3: {  	_ = 	snop;
	(pc) =	sbr.rel .LBB2_16-.Ltmp16, $3  }
0x1a4: {  	_ =	sdelay $0x1  }
0x1a5: {  	v11 =	vmax.f32 v11, v60  }
0x1a6: {  	[tilespmem:s0+$0x200] =	vst v11  }
.LBB2_12:
.Ltmp17:
0x1a7: {  	(pc) =	sbr.rel .LBB2_15-.Ltmp17, $2  }
0x1a8: {  	_ =	sdelay $0x2  }
0x1a9: {  	_ = 	snop  }
.LBB2_17:
.Ltmp18:
0x1aa: {  	(pc) =	sbr.rel @!p1 .LBB2_21-.Ltmp18, $2  }
0x1ab: {  	_ =	sdelay $0x2  }
0x1ac: {  	s0 =	simm.s32 $0x0  }
0x1ad: {  	s0 =	sadd.s32 $0x1, s0  }
0x1ae: {  	p2 =	slt.s32 s0, s8  }
.Ltmp19:
0x1af: {  	_ = 	snop;
	(pc) =	sbr.rel @!p2 .LBB2_20-.Ltmp19, $3  }
0x1b0: {  	_ =	sdelay $0x1  }
0x1b1: {  	_ =	swait.ge [sflag:s17], $0x4000  }
0x1b2: {  	[sflag:s17] =	ssyncset.done $0x0  }
.LBB2_19:
0x1b3: {  	s0 =	sadd.s32 $0x1, s0  }
0x1b4: {  	[sflag:s17] =	ssyncadd.s32 $0xFFFFC000;
	p2 =	slt.s32 s0, s8  }
.Ltmp20:
0x1b5: {  	(pc) =	sbr.rel @p2 .LBB2_19-.Ltmp20, $3  }
0x1b6: {  	_ =	sdelay $0x1  }
0x1b7: {  	_ =	swait.ge [sflag:s17], $0x4000  }
0x1b8: {  	[sflag:s17] =	ssyncset.done $0x0  }
.Ltmp21:
0x1b9: {  	_ = 	snop;
	(pc) =	sbr.rel .LBB2_20-.Ltmp21, $1  }
0x1ba: {  	_ =	sdelay $0x3  }
.LBB2_22:
0x1bb: {  	_ =	sfence.sel $0x180000  }
0x1bc: {  	[bflag:$0x0] =	sbarrier.arrive $0xFFFF  }
0x1bd: {  	_ =	strace $0x90000047  }
0x1be: {  	s0 =	stileid.u32;
	[bflag:$0x2] =	sbarrier.arrive $0xFFFF  }
0x1bf: {  	p0 =	sne.s32 s0, $0x0;
	s0 =	rddreg [dreg:$0x4]  }
0x1c0: {  	s0 =	sadd.s32 @!p0 $0x100000, s0  }
0x1c1: {  	[sflag:s0] =	ssyncadd.tile.s32 @!p0 $0x1;
	_ =	shalt  }
.Lfunc_end2:
_tile_overlayer_lowered:
.L_overlay_start_2:
0x1c2: {  	(tag) =	ssettag $0x2  }
0x1c3: {  	s0 =	rddreg [dreg:$0x0];
	s2 =	stileid.u32  }
0x1c4: {  	s1 =	rddreg [dreg:$0x1];
	p0 =	sne.s32 s2, $0x0  }
0x1c5: {  	s3 =	rddreg [dreg:$0x2];
	[bflag:$0x3] =	sbarrier.arrive $0xFFFF;
	s2 =	simm.s32 @!p0 $0x1C05  }
0x1c6: {  	[timem:s3], [sflag:s2] =	dma.local @!p0 [hbm:s0], s1  }
0x1c7: {  	s0 =	simm.s32 @!p0 $0x5  }
0x1c8: {  	_ =	swait.ge @!p0 [sflag:s0], s1  }
0x1c9: {  	s1 =	ssub.s32 @!p0 $0x0, s1;
	[sflag:s0] =	ssyncset.done @!p0 $0x0  }
0x1ca: {  	[sflag:s0] =	ssyncadd.s32 @!p0 s1  }
0x1cb: {  	[bflag:$0x3] =	sbarrier.arrive $0xFFFF  }
0x1cc: {  	_ =	shalt  }

</sc_bundles>
